<compile_context>
chip_gen: v7x
topology: tpu7x:2x2x1
jax: 0.10.2.dev20260603
libtpu: 0.0.44.dev20260713+nightly
codegen_flags: <defaults>
</compile_context>

<pallas_src>
import functools

import jax
import jax.numpy as jnp
from jax import lax
from jax.experimental import pallas as pl
from jax.experimental.pallas import tpu as pltpu
from jax.experimental.pallas import tpu_sc as plsc

N_NODES = 10000
N_EDGES = 160000
N_GRAPHS = 128
HIDDEN = 256
N_CLASSES = 10

NSUB = 16
NPAD = 10240
NT = NPAD // NSUB
CHUNK = 128
EC = 80
KW = 8
NB = EC // KW
EPT = EC * CHUNK
EPAD = NSUB * EPT
PAD_NODE = NPAD - 1
GCHUNK = 128
GC = NT // GCHUNK
PAD_GID = N_GRAPHS
GBUF = 136


def _rsqrt16(m):
    i = lax.bitcast_convert_type(m, jnp.int32)
    i = jnp.int32(0x5F3759DF) - (i >> 1)
    x = lax.bitcast_convert_type(i, jnp.float32)
    for _ in range(3):
        x = x * (1.5 - 0.5 * m * x * x)
    return x


def _sc_body(edges_hbm, gid_hbm, out_hbm,
             ya, aa, g0, g1, g2, g3,
             src_v, dst_v, gid_v, vals, ones_v, zeros_v,
             la, norm_v, n2_v, keep1, keep2, sem_g, sem_s):
    cid = lax.axis_index("c")
    tid = lax.axis_index("s")
    is0 = cid == 0

    one16 = jnp.full((16,), 1.0, jnp.float32)
    zero16 = jnp.zeros((16,), jnp.float32)

    def init_body(i, c):
        @pl.when(i < CHUNK // 16)
        def _():
            ones_v[pl.ds(i * 16, 16)] = one16
        zeros_v[pl.ds(i * 16, 16)] = zero16
        return c

    lax.fori_loop(0, NT // 16, init_body, 0)

    src_cp = pltpu.make_async_copy(edges_hbm.at[0, tid], src_v, sem_g)
    src_cp.start()
    pltpu.sync_copy(edges_hbm.at[1, tid], dst_v)
    pltpu.sync_copy(gid_hbm.at[tid], gid_v)

    nsl = pl.ds(tid * NT, NT)

    pltpu.sync_copy(zeros_v, aa.at[nsl])

    @pl.when(tid == 0)
    def _():
        z = zeros_v.at[pl.ds(0, GBUF)]
        pltpu.sync_copy(z, g0)
        pltpu.sync_copy(z, g1)
        pltpu.sync_copy(z, g2)
        pltpu.sync_copy(z, g3)

    plsc.subcore_barrier()

    def fire_gathers(b):
        def f(k, c):
            j = b * KW + k
            pltpu.async_copy(ya.at[src_v.at[j]], vals.at[j], sem_g)
            return c
        lax.fori_loop(0, KW, f, 0)

    def drain_gathers(b):
        def f(k, c):
            j = b * KW + k
            pltpu.make_async_copy(ya.at[src_v.at[j]], vals.at[j], sem_g).wait()
            return c
        lax.fori_loop(0, KW, f, 0)

    def fire_scatters(b, valrow):
        def f(k, c):
            j = b * KW + k
            pltpu.async_copy(valrow(j), aa.at[dst_v.at[j]], sem_s, add=True)
            return c
        lax.fori_loop(0, KW, f, 0)

    def drain_scatters(b, valrow):
        def f(k, c):
            j = b * KW + k
            pltpu.make_async_copy(valrow(j), aa.at[dst_v.at[j]], sem_s).wait()
            return c
        lax.fori_loop(0, KW, f, 0)

    ones_row = lambda j: ones_v

    def deg_blk(b, c):
        @pl.when(b > 0)
        def _():
            drain_scatters(b - 1, ones_row)
        fire_scatters(b, ones_row)
        return c

    lax.fori_loop(0, NB, deg_blk, 0)
    drain_scatters(NB - 1, ones_row)
    src_cp.wait()
    plsc.subcore_barrier()

    def edge_pass():
        vrow = lambda j: vals.at[j]
        fire_gathers(0)

        def blk(b, c):
            drain_gathers(b)

            @pl.when(b + 1 < NB)
            def _():
                fire_gathers(b + 1)

            @pl.when(b > 0)
            def _():
                drain_scatters(b - 1, vrow)

            fire_scatters(b, vrow)
            return c

        lax.fori_loop(0, NB, blk, 0)
        drain_scatters(NB - 1, vrow)

    pltpu.sync_copy(aa.at[nsl], la)

    def phaseB_body(i, c):
        s16 = pl.ds(i * 16, 16)
        d = la[s16]
        n = _rsqrt16(jnp.maximum(d, 1.0))
        norm_v[s16] = n
        n2_v[s16] = n * n
        la[s16] = jnp.where(is0, d * n, n)
        return c

    lax.fori_loop(0, NT // 16, phaseB_body, 0)
    pltpu.sync_copy(la, ya.at[nsl])
    pltpu.sync_copy(zeros_v, aa.at[nsl])
    plsc.subcore_barrier()

    edge_pass()
    plsc.subcore_barrier()

    pltpu.sync_copy(aa.at[nsl], la)

    def phaseC_body(i, c):
        s16 = pl.ds(i * 16, 16)
        v = la[s16]
        keep1[s16] = norm_v[s16] * v
        la[s16] = n2_v[s16] * v
        return c

    lax.fori_loop(0, NT // 16, phaseC_body, 0)
    pltpu.sync_copy(la, ya.at[nsl])
    pltpu.sync_copy(zeros_v, aa.at[nsl])
    plsc.subcore_barrier()

    edge_pass()
    plsc.subcore_barrier()

    pltpu.sync_copy(aa.at[nsl], la)

    def phaseD_body(i, c):
        s16 = pl.ds(i * 16, 16)
        v = la[s16]
        keep2[s16] = norm_v[s16] * v
        la[s16] = n2_v[s16] * v
        return c

    lax.fori_loop(0, NT // 16, phaseD_body, 0)

    @pl.when(is0)
    def _():
        pltpu.sync_copy(la, ya.at[nsl])
        pltpu.sync_copy(zeros_v, aa.at[nsl])
        plsc.subcore_barrier()
        edge_pass()
        plsc.subcore_barrier()
        pltpu.sync_copy(aa.at[nsl], la)

        def phaseE_body(i, c):
            s16 = pl.ds(i * 16, 16)
            keep2[s16] = norm_v[s16] * la[s16]
            return c

        lax.fori_loop(0, NT // 16, phaseE_body, 0)

    def pool_scatter(valref, gbuf):
        def body(j, c):
            off = pl.multiple_of(j * GCHUNK, GCHUNK)
            pltpu.sync_copy(valref.at[pl.ds(off, GCHUNK)],
                            gbuf.at[gid_v.at[j]], add=True)
            return c

        lax.fori_loop(0, GC, body, 0)

    @pl.when(is0)
    def _():
        pool_scatter(keep2, g0)

    @pl.when(jnp.logical_not(is0))
    def _():
        pool_scatter(keep2, g1)
        pool_scatter(keep1, g2)

        def cnt_body(j, c):
            pltpu.sync_copy(ones_v.at[pl.ds(0, GCHUNK)],
                            g3.at[gid_v.at[j]], add=True)
            return c

        lax.fori_loop(0, GC, cnt_body, 0)

    plsc.subcore_barrier()

    @pl.when(jnp.logical_and(is0, tid == 0))
    def _():
        pltpu.sync_copy(g0.at[pl.ds(0, N_GRAPHS)], out_hbm.at[0])

    @pl.when(jnp.logical_and(jnp.logical_not(is0), tid == 0))
    def _():
        pltpu.sync_copy(g1.at[pl.ds(0, N_GRAPHS)], out_hbm.at[1])
        pltpu.sync_copy(g2.at[pl.ds(0, N_GRAPHS)], out_hbm.at[2])
        pltpu.sync_copy(g3.at[pl.ds(0, N_GRAPHS)], out_hbm.at[3])


_sc_sums = pl.kernel(
    _sc_body,
    out_type=jax.ShapeDtypeStruct((4, N_GRAPHS), jnp.float32),
    mesh=plsc.VectorSubcoreMesh(core_axis_name="c", subcore_axis_name="s"),
    scratch_types=[
        pltpu.VMEM_SHARED((NPAD,), jnp.float32),
        pltpu.VMEM_SHARED((NPAD,), jnp.float32),
        pltpu.VMEM_SHARED((GBUF,), jnp.float32),
        pltpu.VMEM_SHARED((GBUF,), jnp.float32),
        pltpu.VMEM_SHARED((GBUF,), jnp.float32),
        pltpu.VMEM_SHARED((GBUF,), jnp.float32),
        pltpu.VMEM((EC, CHUNK), jnp.int32),
        pltpu.VMEM((EC, CHUNK), jnp.int32),
        pltpu.VMEM((GC, GCHUNK), jnp.int32),
        pltpu.VMEM((EC, CHUNK), jnp.float32),

        pltpu.VMEM((CHUNK,), jnp.float32),
        pltpu.VMEM((NT,), jnp.float32),
        pltpu.VMEM((NT,), jnp.float32),
        pltpu.VMEM((NT,), jnp.float32),
        pltpu.VMEM((NT,), jnp.float32),
        pltpu.VMEM((NT,), jnp.float32),
        pltpu.VMEM((NT,), jnp.float32),
        pltpu.SemaphoreType.DMA,
        pltpu.SemaphoreType.DMA,
    ],
)


def _weights_body(W0_ref, b0_ref, W1_ref, b1_ref, W2_ref, b2_ref,
                  Wc_ref, out_ref):
    f32 = jnp.float32
    W1 = W1_ref[...]
    W2 = W2_ref[...]
    Wc = Wc_ref[...]
    A = jnp.dot(jnp.dot(W0_ref[...], W1, preferred_element_type=f32, precision=lax.Precision.HIGHEST), W2,
                preferred_element_type=f32, precision=lax.Precision.HIGHEST)
    B = jnp.dot(jnp.dot(b0_ref[...], W1, preferred_element_type=f32, precision=lax.Precision.HIGHEST), W2,
                preferred_element_type=f32, precision=lax.Precision.HIGHEST)
    C = jnp.dot(b1_ref[...], W2, preferred_element_type=f32, precision=lax.Precision.HIGHEST)
    V = jnp.concatenate([
        jnp.dot(A, Wc, preferred_element_type=f32, precision=lax.Precision.HIGHEST),
        jnp.dot(B, Wc, preferred_element_type=f32, precision=lax.Precision.HIGHEST),
        jnp.dot(C, Wc, preferred_element_type=f32, precision=lax.Precision.HIGHEST),
        jnp.dot(b2_ref[...], Wc, preferred_element_type=f32, precision=lax.Precision.HIGHEST),
    ], axis=0)
    out_ref[...] = V


_weights = pl.pallas_call(
    _weights_body,
    out_shape=jax.ShapeDtypeStruct((4, N_CLASSES), jnp.float32),
)


def _combine_body(sums_ref, V_ref, bc_ref, out_ref):
    f32 = jnp.float32
    sums = sums_ref[...]
    cnt = sums[3:4, :]
    inv = 1.0 / jnp.maximum(cnt, 1.0)
    M4 = sums * inv
    out = lax.dot_general(M4, V_ref[...], (((0,), (0,)), ((), ())),
                          preferred_element_type=f32,
                          precision=lax.Precision.HIGHEST)
    out_ref[...] = out + bc_ref[...]


_combine = pl.pallas_call(
    _combine_body,
    out_shape=jax.ShapeDtypeStruct((N_GRAPHS, N_CLASSES), jnp.float32),
)


@jax.jit
def kernel(edge_index, node_graph_ids, W0, b0, W1, b1, W2, b2, Wc, bc):
    pad = jnp.full((2, EPAD - N_EDGES), PAD_NODE, jnp.int32)
    edges4 = jnp.concatenate([edge_index, pad], axis=1).reshape(2, NSUB, EC, CHUNK)
    gpad = jnp.full((NPAD - N_NODES,), PAD_GID, jnp.int32)
    gid3 = jnp.concatenate([node_graph_ids.astype(jnp.int32),
                            gpad]).reshape(NSUB, GC, GCHUNK)

    V = _weights(W0, b0.reshape(1, HIDDEN), W1, b1.reshape(1, HIDDEN),
                 W2, b2.reshape(1, HIDDEN), Wc)
    sums = _sc_sums(edges4, gid3)
    return _combine(sums, V, bc.reshape(1, N_CLASSES))

# --- scband reference (transcript-rebuilt; emitter-appended) ---
"""Pipeline reference for scband-sgconv-classifier-32109175505559 (READ-ONLY COPY).

The authoritative reference and input builder live on the scoring server;
editing this copy changes nothing except your own understanding.
"""

import jax, jax.numpy as jnp
import numpy as np

N_NODES = 10000
N_EDGES = 160000
N_GRAPHS = 128
HIDDEN = 256
N_CLASSES = 10


def setup_inputs(seed: int = 0) -> dict:
    key = jax.random.key(seed)
    ks = jax.random.split(key, 12)
    edge_index = jax.random.randint(ks[0], (2, N_EDGES), 0, N_NODES, dtype=jnp.int32)
    node_graph_ids = jnp.sort(jax.random.randint(ks[1], (N_NODES,), 0, N_GRAPHS, dtype=jnp.int32))
    W0 = 0.1 * jax.random.normal(ks[2], (1, HIDDEN), dtype=jnp.float32)
    b0 = 0.1 * jax.random.normal(ks[3], (HIDDEN,), dtype=jnp.float32)
    W1 = 0.1 * jax.random.normal(ks[4], (HIDDEN, HIDDEN), dtype=jnp.float32)
    b1 = 0.1 * jax.random.normal(ks[5], (HIDDEN,), dtype=jnp.float32)
    W2 = 0.1 * jax.random.normal(ks[6], (HIDDEN, HIDDEN), dtype=jnp.float32)
    b2 = 0.1 * jax.random.normal(ks[7], (HIDDEN,), dtype=jnp.float32)
    Wc = 0.1 * jax.random.normal(ks[8], (HIDDEN, N_CLASSES), dtype=jnp.float32)
    bc = 0.1 * jax.random.normal(ks[9], (N_CLASSES,), dtype=jnp.float32)
    return {"edge_index": edge_index, "node_graph_ids": node_graph_ids,
            "W0": W0, "b0": b0, "W1": W1, "b1": b1, "W2": W2, "b2": b2,
            "Wc": Wc, "bc": bc}


def reference(edge_index, node_graph_ids, W0, b0, W1, b1, W2, b2, Wc, bc):
    src = edge_index[0]
    dst = edge_index[1]
    N = node_graph_ids.shape[0]
    # in-degrees: initial node features h = in_degrees (shape [N, 1])
    deg = jax.ops.segment_sum(jnp.ones(src.shape[0], jnp.float32), dst, num_segments=N)
    # DGL SGConv normalization: norm = clamp(in_deg, 1)^(-1/2), applied pre & post aggregation
    norm = jnp.clip(deg, 1.0) ** -0.5
    h = deg[:, None]

    def propagate(h):
        hn = h * norm[:, None]
        agg = jax.ops.segment_sum(hn[src], dst, num_segments=N)
        return agg * norm[:, None]

    # SGConv with k=1: propagate then linear
    h = propagate(h) @ W0 + b0
    h = propagate(h) @ W1 + b1
    h = propagate(h) @ W2 + b2
    # dgl.mean_nodes over batched graph
    sums = jax.ops.segment_sum(h, node_graph_ids, num_segments=N_GRAPHS)
    cnts = jax.ops.segment_sum(jnp.ones(N, jnp.float32), node_graph_ids, num_segments=N_GRAPHS)
    hg = sums / jnp.clip(cnts, 1.0)[:, None]
    return hg @ Wc + bc

if __name__ == "__main__":
    import jax
    _d = setup_inputs()
    print(jax.jit(kernel)(*tuple(_d.values())))

</pallas_src>

<mosaic_0001>
#map = affine_map<(d0, d1) -> (0, 0, 0, 0)>
#map1 = affine_map<(d0, d1) -> (0, 0, 0)>
#map2 = affine_map<(d0, d1) -> (0, 0)>
module attributes {stable_mosaic.version = 14 : i64} {
  func.func @_sc_body(%arg0: i32, %arg1: i32, %arg2: memref<2x16x80x128xi32, #tpu.memory_space<hbm>>, %arg3: memref<16x5x128xi32, #tpu.memory_space<hbm>>, %arg4: memref<4x128xf32, #tpu.memory_space<hbm>>, %arg5: memref<10240xf32, #tpu.memory_space<vmem_shared>>, %arg6: memref<10240xf32, #tpu.memory_space<vmem_shared>>, %arg7: memref<136xf32, #tpu.memory_space<vmem_shared>>, %arg8: memref<136xf32, #tpu.memory_space<vmem_shared>>, %arg9: memref<136xf32, #tpu.memory_space<vmem_shared>>, %arg10: memref<136xf32, #tpu.memory_space<vmem_shared>>, %arg11: memref<80x128xi32, #tpu.memory_space<vmem>>, %arg12: memref<80x128xi32, #tpu.memory_space<vmem>>, %arg13: memref<5x128xi32, #tpu.memory_space<vmem>>, %arg14: memref<80x128xf32, #tpu.memory_space<vmem>>, %arg15: memref<128xf32, #tpu.memory_space<vmem>>, %arg16: memref<640xf32, #tpu.memory_space<vmem>>, %arg17: memref<640xf32, #tpu.memory_space<vmem>>, %arg18: memref<640xf32, #tpu.memory_space<vmem>>, %arg19: memref<640xf32, #tpu.memory_space<vmem>>, %arg20: memref<640xf32, #tpu.memory_space<vmem>>, %arg21: memref<640xf32, #tpu.memory_space<vmem>>, %arg22: memref<!tpu.dma_semaphore, #tpu.memory_space<semaphore_mem>>, %arg23: memref<!tpu.dma_semaphore, #tpu.memory_space<semaphore_mem>>) attributes {dimension_semantics = [#tpu.dimension_semantics<core_parallel>, #tpu.dimension_semantics<subcore_parallel>], iteration_bounds = array<i64: 2, 16>, scalar_prefetch = 0 : i64, scratch_operands = 19 : i64, tpu.core_type = #tpu.core_type<sc_vector_subcore>, window_params = [{transform_indices = #map}, {transform_indices = #map1}, {transform_indices = #map2}]} {
    %eq3A = arith.constant 0 : i32
    %eq3A_0 = arith.cmpi eq, %arg0, %eq3A : i32
    %broadcast_in_dim3A = arith.constant 1.000000e+00 : f32
    %broadcast_in_dim3A_1 = vector.broadcast %broadcast_in_dim3A : f32 to vector<16xf32>
    %broadcast_in_dim3A_2 = arith.constant 0.000000e+00 : f32
    %broadcast_in_dim3A_3 = vector.broadcast %broadcast_in_dim3A_2 : f32 to vector<16xf32>
    %scan3A = arith.constant 0 : i32
    %scan3A_4 = arith.constant 0 : i32
    %scan3A_5 = arith.constant 40 : i32
    %scan3A_6 = arith.addi %scan3A_4, %scan3A_5 : i32
    %scan3A_7 = arith.constant 1 : i32
    scf.for %scan3A_124 = %scan3A_4 to %scan3A_6 step %scan3A_7  : i32 {
      %lt3A = arith.constant 8 : i32
      %lt3A_125 = arith.cmpi slt, %scan3A_124, %lt3A : i32
      %convert_element_type3A_126 = arith.extui %lt3A_125 : i1 to i32
      %cond3A_127 = arith.constant 0 : i32
      %cond3A_128 = arith.cmpi ne, %convert_element_type3A_126, %cond3A_127 : i32
      scf.if %cond3A_128 {
        %mul3A_134 = arith.constant 16 : i32
        %mul3A_135 = arith.muli %scan3A_124, %mul3A_134 : i32
        %swap3A_136 = arith.index_cast %mul3A_135 : i32 to index
        %swap3A_137 = tpu.vector_load %arg15[%swap3A_136] {strides = array<i32>} : memref<128xf32, #tpu.memory_space<vmem>>, vector<16xf32>,
        %swap3A_138 = vector.shape_cast %swap3A_137 : vector<16xf32> to vector<16xf32>
        %swap3A_139 = vector.shape_cast %broadcast_in_dim3A_1 : vector<16xf32> to vector<16xf32>
        tpu.vector_store %arg15[%swap3A_136], %swap3A_139 {strides = array<i32>} : memref<128xf32, #tpu.memory_space<vmem>>, vector<16xf32>,
      } else {
      }
      %mul3A_129 = arith.constant 16 : i32
      %mul3A_130 = arith.muli %scan3A_124, %mul3A_129 : i32
      %swap3A = arith.index_cast %mul3A_130 : i32 to index
      %swap3A_131 = tpu.vector_load %arg16[%swap3A] {strides = array<i32>} : memref<640xf32, #tpu.memory_space<vmem>>, vector<16xf32>,
      %swap3A_132 = vector.shape_cast %swap3A_131 : vector<16xf32> to vector<16xf32>
      %swap3A_133 = vector.shape_cast %broadcast_in_dim3A_3 : vector<16xf32> to vector<16xf32>
      tpu.vector_store %arg16[%swap3A], %swap3A_133 {strides = array<i32>} : memref<640xf32, #tpu.memory_space<vmem>>, vector<16xf32>,
    }
    %scan3A_8 = arith.constant 40 : i32
    %dma_start3A = arith.constant 0 : i32
    %dma_start3A_9 = arith.constant 0 : i32
    %dma_start3A_10 = arith.constant 0 : i32
    %dma_start3A_11 = tpu.memref_slice %arg2[%dma_start3A, %arg1, %dma_start3A_9, %dma_start3A_10] : memref<2x16x80x128xi32, #tpu.memory_space<hbm>> -> memref<1x1x80x128xi32, #tpu.memory_space<hbm>>
    %dma_start3A_12 = tpu.memref_squeeze %dma_start3A_11 : memref<1x1x80x128xi32, #tpu.memory_space<hbm>> -> memref<80x128xi32, #tpu.memory_space<hbm>>
    %dma_start3A_13 = arith.constant 0 : i32
    %dma_start3A_14 = arith.constant 0 : i32
    %dma_start3A_15 = tpu.memref_slice %arg2[%dma_start3A, %arg1, %dma_start3A_13, %dma_start3A_14] : memref<2x16x80x128xi32, #tpu.memory_space<hbm>> -> memref<1x1x80x128xi32, #tpu.memory_space<hbm>>
    %dma_start3A_16 = tpu.memref_squeeze %dma_start3A_15 : memref<1x1x80x128xi32, #tpu.memory_space<hbm>> -> memref<80x128xi32, #tpu.memory_space<hbm>>
    tpu.enqueue_dma source(%dma_start3A_16 : memref<80x128xi32, #tpu.memory_space<hbm>>) target(%arg11 : memref<80x128xi32, #tpu.memory_space<vmem>>) target_semaphore(%arg22 : memref<!tpu.dma_semaphore, #tpu.memory_space<semaphore_mem>>)
    %run_scoped3A = arith.constant 1 : i32
    "tpu.region"() ({
      %run_scoped3A_124 = tpu.sem_alloc : memref<!tpu.dma_semaphore, #tpu.memory_space<semaphore_mem>>
      %dma_start3A_125 = arith.constant 0 : i32
      %dma_start3A_126 = arith.constant 0 : i32
      %dma_start3A_127 = tpu.memref_slice %arg2[%run_scoped3A, %arg1, %dma_start3A_125, %dma_start3A_126] : memref<2x16x80x128xi32, #tpu.memory_space<hbm>> -> memref<1x1x80x128xi32, #tpu.memory_space<hbm>>
      %dma_start3A_128 = tpu.memref_squeeze %dma_start3A_127 : memref<1x1x80x128xi32, #tpu.memory_space<hbm>> -> memref<80x128xi32, #tpu.memory_space<hbm>>
      %dma_start3A_129 = arith.constant 0 : i32
      %dma_start3A_130 = arith.constant 0 : i32
      %dma_start3A_131 = tpu.memref_slice %arg2[%run_scoped3A, %arg1, %dma_start3A_129, %dma_start3A_130] : memref<2x16x80x128xi32, #tpu.memory_space<hbm>> -> memref<1x1x80x128xi32, #tpu.memory_space<hbm>>
      %dma_start3A_132 = tpu.memref_squeeze %dma_start3A_131 : memref<1x1x80x128xi32, #tpu.memory_space<hbm>> -> memref<80x128xi32, #tpu.memory_space<hbm>>
      tpu.enqueue_dma source(%dma_start3A_132 : memref<80x128xi32, #tpu.memory_space<hbm>>) target(%arg12 : memref<80x128xi32, #tpu.memory_space<vmem>>) target_semaphore(%run_scoped3A_124 : memref<!tpu.dma_semaphore, #tpu.memory_space<semaphore_mem>>)
      %dma_wait3A_133 = arith.constant 0 : i32
      %dma_wait3A_134 = arith.constant 0 : i32
      %dma_wait3A_135 = tpu.memref_slice %arg2[%run_scoped3A, %arg1, %dma_wait3A_133, %dma_wait3A_134] : memref<2x16x80x128xi32, #tpu.memory_space<hbm>> -> memref<1x1x80x128xi32, #tpu.memory_space<hbm>>
      %dma_wait3A_136 = tpu.memref_squeeze %dma_wait3A_135 : memref<1x1x80x128xi32, #tpu.memory_space<hbm>> -> memref<80x128xi32, #tpu.memory_space<hbm>>
      %dma_wait3A_137 = arith.constant 0 : i32
      %dma_wait3A_138 = arith.constant 0 : i32
      %dma_wait3A_139 = tpu.memref_slice %arg2[%run_scoped3A, %arg1, %dma_wait3A_137, %dma_wait3A_138] : memref<2x16x80x128xi32, #tpu.memory_space<hbm>> -> memref<1x1x80x128xi32, #tpu.memory_space<hbm>>
      %dma_wait3A_140 = tpu.memref_squeeze %dma_wait3A_139 : memref<1x1x80x128xi32, #tpu.memory_space<hbm>> -> memref<80x128xi32, #tpu.memory_space<hbm>>
      tpu.wait_dma2 semaphore(%run_scoped3A_124 : memref<!tpu.dma_semaphore, #tpu.memory_space<semaphore_mem>>) src(%dma_wait3A_140 : memref<80x128xi32, #tpu.memory_space<hbm>>) dst(%arg12 : memref<80x128xi32, #tpu.memory_space<vmem>>)
      tpu.yield
    }) : () -> ()
    "tpu.region"() ({
      %run_scoped3A_124 = tpu.sem_alloc : memref<!tpu.dma_semaphore, #tpu.memory_space<semaphore_mem>>
      %dma_start3A_125 = arith.constant 0 : i32
      %dma_start3A_126 = arith.constant 0 : i32
      %dma_start3A_127 = tpu.memref_slice %arg3[%arg1, %dma_start3A_125, %dma_start3A_126] : memref<16x5x128xi32, #tpu.memory_space<hbm>> -> memref<1x5x128xi32, #tpu.memory_space<hbm>>
      %dma_start3A_128 = tpu.memref_squeeze %dma_start3A_127 : memref<1x5x128xi32, #tpu.memory_space<hbm>> -> memref<5x128xi32, #tpu.memory_space<hbm>>
      %dma_start3A_129 = arith.constant 0 : i32
      %dma_start3A_130 = arith.constant 0 : i32
      %dma_start3A_131 = tpu.memref_slice %arg3[%arg1, %dma_start3A_129, %dma_start3A_130] : memref<16x5x128xi32, #tpu.memory_space<hbm>> -> memref<1x5x128xi32, #tpu.memory_space<hbm>>
      %dma_start3A_132 = tpu.memref_squeeze %dma_start3A_131 : memref<1x5x128xi32, #tpu.memory_space<hbm>> -> memref<5x128xi32, #tpu.memory_space<hbm>>
      tpu.enqueue_dma source(%dma_start3A_132 : memref<5x128xi32, #tpu.memory_space<hbm>>) target(%arg13 : memref<5x128xi32, #tpu.memory_space<vmem>>) target_semaphore(%run_scoped3A_124 : memref<!tpu.dma_semaphore, #tpu.memory_space<semaphore_mem>>)
      %dma_wait3A_133 = arith.constant 0 : i32
      %dma_wait3A_134 = arith.constant 0 : i32
      %dma_wait3A_135 = tpu.memref_slice %arg3[%arg1, %dma_wait3A_133, %dma_wait3A_134] : memref<16x5x128xi32, #tpu.memory_space<hbm>> -> memref<1x5x128xi32, #tpu.memory_space<hbm>>
      %dma_wait3A_136 = tpu.memref_squeeze %dma_wait3A_135 : memref<1x5x128xi32, #tpu.memory_space<hbm>> -> memref<5x128xi32, #tpu.memory_space<hbm>>
      %dma_wait3A_137 = arith.constant 0 : i32
      %dma_wait3A_138 = arith.constant 0 : i32
      %dma_wait3A_139 = tpu.memref_slice %arg3[%arg1, %dma_wait3A_137, %dma_wait3A_138] : memref<16x5x128xi32, #tpu.memory_space<hbm>> -> memref<1x5x128xi32, #tpu.memory_space<hbm>>
      %dma_wait3A_140 = tpu.memref_squeeze %dma_wait3A_139 : memref<1x5x128xi32, #tpu.memory_space<hbm>> -> memref<5x128xi32, #tpu.memory_space<hbm>>
      tpu.wait_dma2 semaphore(%run_scoped3A_124 : memref<!tpu.dma_semaphore, #tpu.memory_space<semaphore_mem>>) src(%dma_wait3A_140 : memref<5x128xi32, #tpu.memory_space<hbm>>) dst(%arg13 : memref<5x128xi32, #tpu.memory_space<vmem>>)
      tpu.yield
    }) : () -> ()
    %mul3A = arith.constant 640 : i32
    %mul3A_17 = arith.muli %arg1, %mul3A : i32
    "tpu.region"() ({
      %run_scoped3A_124 = tpu.sem_alloc : memref<!tpu.dma_semaphore, #tpu.memory_space<semaphore_mem>>
      %dma_start3A_125 = tpu.memref_slice %arg6[%mul3A_17] : memref<10240xf32, #tpu.memory_space<vmem_shared>> -> memref<640xf32, #tpu.memory_space<vmem_shared>>
      %dma_start3A_126 = tpu.memref_slice %arg6[%mul3A_17] : memref<10240xf32, #tpu.memory_space<vmem_shared>> -> memref<640xf32, #tpu.memory_space<vmem_shared>>
      tpu.enqueue_dma source(%arg16 : memref<640xf32, #tpu.memory_space<vmem>>) target(%dma_start3A_126 : memref<640xf32, #tpu.memory_space<vmem_shared>>) target_semaphore(%run_scoped3A_124 : memref<!tpu.dma_semaphore, #tpu.memory_space<semaphore_mem>>)
      %dma_wait3A_127 = tpu.memref_slice %arg6[%mul3A_17] : memref<10240xf32, #tpu.memory_space<vmem_shared>> -> memref<640xf32, #tpu.memory_space<vmem_shared>>
      %dma_wait3A_128 = tpu.memref_slice %arg6[%mul3A_17] : memref<10240xf32, #tpu.memory_space<vmem_shared>> -> memref<640xf32, #tpu.memory_space<vmem_shared>>
      tpu.wait_dma2 semaphore(%run_scoped3A_124 : memref<!tpu.dma_semaphore, #tpu.memory_space<semaphore_mem>>) src(%arg16 : memref<640xf32, #tpu.memory_space<vmem>>) dst(%dma_wait3A_128 : memref<640xf32, #tpu.memory_space<vmem_shared>>)
      tpu.yield
    }) : () -> ()
    %eq3A_18 = arith.constant 0 : i32
    %eq3A_19 = arith.cmpi eq, %arg1, %eq3A_18 : i32
    %convert_element_type3A = arith.extui %eq3A_19 : i1 to i32
    %cond3A = arith.constant 0 : i32
    %cond3A_20 = arith.cmpi ne, %convert_element_type3A, %cond3A : i32
    scf.if %cond3A_20 {
      "tpu.region"() ({
        %run_scoped3A_124 = tpu.sem_alloc : memref<!tpu.dma_semaphore, #tpu.memory_space<semaphore_mem>>
        %dma_start3A_125 = arith.constant 0 : i32
        %dma_start3A_126 = tpu.memref_slice %arg16[%dma_start3A_125] : memref<640xf32, #tpu.memory_space<vmem>> -> memref<136xf32, #tpu.memory_space<vmem>>
        %dma_start3A_127 = arith.constant 0 : i32
        %dma_start3A_128 = tpu.memref_slice %arg16[%dma_start3A_127] : memref<640xf32, #tpu.memory_space<vmem>> -> memref<136xf32, #tpu.memory_space<vmem>>
        tpu.enqueue_dma source(%dma_start3A_128 : memref<136xf32, #tpu.memory_space<vmem>>) target(%arg7 : memref<136xf32, #tpu.memory_space<vmem_shared>>) target_semaphore(%run_scoped3A_124 : memref<!tpu.dma_semaphore, #tpu.memory_space<semaphore_mem>>)
        %dma_wait3A_129 = arith.constant 0 : i32
        %dma_wait3A_130 = tpu.memref_slice %arg16[%dma_wait3A_129] : memref<640xf32, #tpu.memory_space<vmem>> -> memref<136xf32, #tpu.memory_space<vmem>>
        %dma_wait3A_131 = arith.constant 0 : i32
        %dma_wait3A_132 = tpu.memref_slice %arg16[%dma_wait3A_131] : memref<640xf32, #tpu.memory_space<vmem>> -> memref<136xf32, #tpu.memory_space<vmem>>
        tpu.wait_dma2 semaphore(%run_scoped3A_124 : memref<!tpu.dma_semaphore, #tpu.memory_space<semaphore_mem>>) src(%dma_wait3A_132 : memref<136xf32, #tpu.memory_space<vmem>>) dst(%arg7 : memref<136xf32, #tpu.memory_space<vmem_shared>>)
        tpu.yield
      }) : () -> ()
      "tpu.region"() ({
        %run_scoped3A_124 = tpu.sem_alloc : memref<!tpu.dma_semaphore, #tpu.memory_space<semaphore_mem>>
        %dma_start3A_125 = arith.constant 0 : i32
        %dma_start3A_126 = tpu.memref_slice %arg16[%dma_start3A_125] : memref<640xf32, #tpu.memory_space<vmem>> -> memref<136xf32, #tpu.memory_space<vmem>>
        %dma_start3A_127 = arith.constant 0 : i32
        %dma_start3A_128 = tpu.memref_slice %arg16[%dma_start3A_127] : memref<640xf32, #tpu.memory_space<vmem>> -> memref<136xf32, #tpu.memory_space<vmem>>
        tpu.enqueue_dma source(%dma_start3A_128 : memref<136xf32, #tpu.memory_space<vmem>>) target(%arg8 : memref<136xf32, #tpu.memory_space<vmem_shared>>) target_semaphore(%run_scoped3A_124 : memref<!tpu.dma_semaphore, #tpu.memory_space<semaphore_mem>>)
        %dma_wait3A_129 = arith.constant 0 : i32
        %dma_wait3A_130 = tpu.memref_slice %arg16[%dma_wait3A_129] : memref<640xf32, #tpu.memory_space<vmem>> -> memref<136xf32, #tpu.memory_space<vmem>>
        %dma_wait3A_131 = arith.constant 0 : i32
        %dma_wait3A_132 = tpu.memref_slice %arg16[%dma_wait3A_131] : memref<640xf32, #tpu.memory_space<vmem>> -> memref<136xf32, #tpu.memory_space<vmem>>
        tpu.wait_dma2 semaphore(%run_scoped3A_124 : memref<!tpu.dma_semaphore, #tpu.memory_space<semaphore_mem>>) src(%dma_wait3A_132 : memref<136xf32, #tpu.memory_space<vmem>>) dst(%arg8 : memref<136xf32, #tpu.memory_space<vmem_shared>>)
        tpu.yield
      }) : () -> ()
      "tpu.region"() ({
        %run_scoped3A_124 = tpu.sem_alloc : memref<!tpu.dma_semaphore, #tpu.memory_space<semaphore_mem>>
        %dma_start3A_125 = arith.constant 0 : i32
        %dma_start3A_126 = tpu.memref_slice %arg16[%dma_start3A_125] : memref<640xf32, #tpu.memory_space<vmem>> -> memref<136xf32, #tpu.memory_space<vmem>>
        %dma_start3A_127 = arith.constant 0 : i32
        %dma_start3A_128 = tpu.memref_slice %arg16[%dma_start3A_127] : memref<640xf32, #tpu.memory_space<vmem>> -> memref<136xf32, #tpu.memory_space<vmem>>
        tpu.enqueue_dma source(%dma_start3A_128 : memref<136xf32, #tpu.memory_space<vmem>>) target(%arg9 : memref<136xf32, #tpu.memory_space<vmem_shared>>) target_semaphore(%run_scoped3A_124 : memref<!tpu.dma_semaphore, #tpu.memory_space<semaphore_mem>>)
        %dma_wait3A_129 = arith.constant 0 : i32
        %dma_wait3A_130 = tpu.memref_slice %arg16[%dma_wait3A_129] : memref<640xf32, #tpu.memory_space<vmem>> -> memref<136xf32, #tpu.memory_space<vmem>>
        %dma_wait3A_131 = arith.constant 0 : i32
        %dma_wait3A_132 = tpu.memref_slice %arg16[%dma_wait3A_131] : memref<640xf32, #tpu.memory_space<vmem>> -> memref<136xf32, #tpu.memory_space<vmem>>
        tpu.wait_dma2 semaphore(%run_scoped3A_124 : memref<!tpu.dma_semaphore, #tpu.memory_space<semaphore_mem>>) src(%dma_wait3A_132 : memref<136xf32, #tpu.memory_space<vmem>>) dst(%arg9 : memref<136xf32, #tpu.memory_space<vmem_shared>>)
        tpu.yield
      }) : () -> ()
      "tpu.region"() ({
        %run_scoped3A_124 = tpu.sem_alloc : memref<!tpu.dma_semaphore, #tpu.memory_space<semaphore_mem>>
        %dma_start3A_125 = arith.constant 0 : i32
        %dma_start3A_126 = tpu.memref_slice %arg16[%dma_start3A_125] : memref<640xf32, #tpu.memory_space<vmem>> -> memref<136xf32, #tpu.memory_space<vmem>>
        %dma_start3A_127 = arith.constant 0 : i32
        %dma_start3A_128 = tpu.memref_slice %arg16[%dma_start3A_127] : memref<640xf32, #tpu.memory_space<vmem>> -> memref<136xf32, #tpu.memory_space<vmem>>
        tpu.enqueue_dma source(%dma_start3A_128 : memref<136xf32, #tpu.memory_space<vmem>>) target(%arg10 : memref<136xf32, #tpu.memory_space<vmem_shared>>) target_semaphore(%run_scoped3A_124 : memref<!tpu.dma_semaphore, #tpu.memory_space<semaphore_mem>>)
        %dma_wait3A_129 = arith.constant 0 : i32
        %dma_wait3A_130 = tpu.memref_slice %arg16[%dma_wait3A_129] : memref<640xf32, #tpu.memory_space<vmem>> -> memref<136xf32, #tpu.memory_space<vmem>>
        %dma_wait3A_131 = arith.constant 0 : i32
        %dma_wait3A_132 = tpu.memref_slice %arg16[%dma_wait3A_131] : memref<640xf32, #tpu.memory_space<vmem>> -> memref<136xf32, #tpu.memory_space<vmem>>
        tpu.wait_dma2 semaphore(%run_scoped3A_124 : memref<!tpu.dma_semaphore, #tpu.memory_space<semaphore_mem>>) src(%dma_wait3A_132 : memref<136xf32, #tpu.memory_space<vmem>>) dst(%arg10 : memref<136xf32, #tpu.memory_space<vmem_shared>>)
        tpu.yield
      }) : () -> ()
    } else {
    }
    %barrier3A = arith.constant 0 : index
    tpu.barrier barrier_id(%barrier3A)
    %scan3A_21 = arith.constant 0 : i32
    %scan3A_22 = arith.constant 0 : i32
    %scan3A_23 = arith.constant 10 : i32
    %scan3A_24 = arith.addi %scan3A_22, %scan3A_23 : i32
    %scan3A_25 = arith.constant 1 : i32
    scf.for %scan3A_124 = %scan3A_22 to %scan3A_24 step %scan3A_25  : i32 {
      %gt3A = arith.constant 0 : i32
      %gt3A_125 = arith.cmpi sgt, %scan3A_124, %gt3A : i32
      %convert_element_type3A_126 = arith.extui %gt3A_125 : i1 to i32
      %cond3A_127 = arith.constant 0 : i32
      %cond3A_128 = arith.cmpi ne, %convert_element_type3A_126, %cond3A_127 : i32
      scf.if %cond3A_128 {
        %sub3A = arith.constant 1 : i32
        %sub3A_135 = arith.subi %scan3A_124, %sub3A : i32
        %scan3A_136 = arith.constant 0 : i32
        %scan3A_137 = arith.constant 0 : i32
        %scan3A_138 = arith.constant 8 : i32
        %scan3A_139 = arith.addi %scan3A_137, %scan3A_138 : i32
        %scan3A_140 = arith.constant 1 : i32
        scf.for %scan3A_142 = %scan3A_137 to %scan3A_139 step %scan3A_140  : i32 {
          %mul3A_143 = arith.constant 8 : i32
          %mul3A_144 = arith.muli %sub3A_135, %mul3A_143 : i32
          %add3A = arith.addi %mul3A_144, %scan3A_142 : i32
          %dma_wait3A_145 = arith.constant 0 : i32
          %dma_wait3A_146 = tpu.memref_slice %arg12[%add3A, %dma_wait3A_145] : memref<80x128xi32, #tpu.memory_space<vmem>> -> memref<1x128xi32, #tpu.memory_space<vmem>>
          %dma_wait3A_147 = tpu.memref_squeeze %dma_wait3A_146 : memref<1x128xi32, #tpu.memory_space<vmem>> -> memref<128xi32, #tpu.memory_space<vmem>>
          %dma_wait3A_148 = arith.constant 0 : i32
          %dma_wait3A_149 = tpu.memref_slice %arg6[%dma_wait3A_148] : memref<10240xf32, #tpu.memory_space<vmem_shared>> -> memref<10240xf32, #tpu.memory_space<vmem_shared>>
          tpu.wait_indirect_dma semaphore(%arg23 : memref<!tpu.dma_semaphore, #tpu.memory_space<semaphore_mem>>) src(%arg15 : memref<128xf32, #tpu.memory_space<vmem>>) dst(%dma_wait3A_149 : memref<10240xf32, #tpu.memory_space<vmem_shared>>)
        }
        %scan3A_141 = arith.constant 8 : i32
      } else {
      }
      %scan3A_129 = arith.constant 0 : i32
      %scan3A_130 = arith.constant 0 : i32
      %scan3A_131 = arith.constant 8 : i32
      %scan3A_132 = arith.addi %scan3A_130, %scan3A_131 : i32
      %scan3A_133 = arith.constant 1 : i32
      scf.for %scan3A_135 = %scan3A_130 to %scan3A_132 step %scan3A_133  : i32 {
        %mul3A_136 = arith.constant 8 : i32
        %mul3A_137 = arith.muli %scan3A_124, %mul3A_136 : i32
        %add3A = arith.addi %mul3A_137, %scan3A_135 : i32
        %dma_start3A_138 = arith.constant 0 : i32
        %dma_start3A_139 = tpu.memref_slice %arg12[%add3A, %dma_start3A_138] : memref<80x128xi32, #tpu.memory_space<vmem>> -> memref<1x128xi32, #tpu.memory_space<vmem>>
        %dma_start3A_140 = tpu.memref_squeeze %dma_start3A_139 : memref<1x128xi32, #tpu.memory_space<vmem>> -> memref<128xi32, #tpu.memory_space<vmem>>
        %dma_start3A_141 = arith.constant 0 : i32
        %dma_start3A_142 = tpu.memref_slice %arg6[%dma_start3A_141] : memref<10240xf32, #tpu.memory_space<vmem_shared>> -> memref<10240xf32, #tpu.memory_space<vmem_shared>>
        tpu.enqueue_indirect_dma source(%arg15 : memref<128xf32, #tpu.memory_space<vmem>>) target(%dma_start3A_142 : memref<10240xf32, #tpu.memory_space<vmem_shared>>) offsets(%dma_start3A_140 : memref<128xi32, #tpu.memory_space<vmem>>) semaphore(%arg23 : memref<!tpu.dma_semaphore, #tpu.memory_space<semaphore_mem>>) {add = true}
      }
      %scan3A_134 = arith.constant 8 : i32
    }
    %scan3A_26 = arith.constant 10 : i32
    %scan3A_27 = arith.constant 0 : i32
    %scan3A_28 = arith.constant 0 : i32
    %scan3A_29 = arith.constant 8 : i32
    %scan3A_30 = arith.addi %scan3A_28, %scan3A_29 : i32
    %scan3A_31 = arith.constant 1 : i32
    scf.for %scan3A_124 = %scan3A_28 to %scan3A_30 step %scan3A_31  : i32 {
      %add3A = arith.constant 72 : i32
      %add3A_125 = arith.addi %add3A, %scan3A_124 : i32
      %dma_wait3A_126 = arith.constant 0 : i32
      %dma_wait3A_127 = tpu.memref_slice %arg12[%add3A_125, %dma_wait3A_126] : memref<80x128xi32, #tpu.memory_space<vmem>> -> memref<1x128xi32, #tpu.memory_space<vmem>>
      %dma_wait3A_128 = tpu.memref_squeeze %dma_wait3A_127 : memref<1x128xi32, #tpu.memory_space<vmem>> -> memref<128xi32, #tpu.memory_space<vmem>>
      %dma_wait3A_129 = arith.constant 0 : i32
      %dma_wait3A_130 = tpu.memref_slice %arg6[%dma_wait3A_129] : memref<10240xf32, #tpu.memory_space<vmem_shared>> -> memref<10240xf32, #tpu.memory_space<vmem_shared>>
      tpu.wait_indirect_dma semaphore(%arg23 : memref<!tpu.dma_semaphore, #tpu.memory_space<semaphore_mem>>) src(%arg15 : memref<128xf32, #tpu.memory_space<vmem>>) dst(%dma_wait3A_130 : memref<10240xf32, #tpu.memory_space<vmem_shared>>)
    }
    %scan3A_32 = arith.constant 8 : i32
    %dma_wait3A = arith.constant 0 : i32
    %dma_wait3A_33 = arith.constant 0 : i32
    %dma_wait3A_34 = arith.constant 0 : i32
    %dma_wait3A_35 = tpu.memref_slice %arg2[%dma_wait3A, %arg1, %dma_wait3A_33, %dma_wait3A_34] : memref<2x16x80x128xi32, #tpu.memory_space<hbm>> -> memref<1x1x80x128xi32, #tpu.memory_space<hbm>>
    %dma_wait3A_36 = tpu.memref_squeeze %dma_wait3A_35 : memref<1x1x80x128xi32, #tpu.memory_space<hbm>> -> memref<80x128xi32, #tpu.memory_space<hbm>>
    %dma_wait3A_37 = arith.constant 0 : i32
    %dma_wait3A_38 = arith.constant 0 : i32
    %dma_wait3A_39 = tpu.memref_slice %arg2[%dma_wait3A, %arg1, %dma_wait3A_37, %dma_wait3A_38] : memref<2x16x80x128xi32, #tpu.memory_space<hbm>> -> memref<1x1x80x128xi32, #tpu.memory_space<hbm>>
    %dma_wait3A_40 = tpu.memref_squeeze %dma_wait3A_39 : memref<1x1x80x128xi32, #tpu.memory_space<hbm>> -> memref<80x128xi32, #tpu.memory_space<hbm>>
    tpu.wait_dma2 semaphore(%arg22 : memref<!tpu.dma_semaphore, #tpu.memory_space<semaphore_mem>>) src(%dma_wait3A_40 : memref<80x128xi32, #tpu.memory_space<hbm>>) dst(%arg11 : memref<80x128xi32, #tpu.memory_space<vmem>>)
    %barrier3A_41 = arith.constant 0 : index
    tpu.barrier barrier_id(%barrier3A_41)
    "tpu.region"() ({
      %run_scoped3A_124 = tpu.sem_alloc : memref<!tpu.dma_semaphore, #tpu.memory_space<semaphore_mem>>
      %dma_start3A_125 = tpu.memref_slice %arg6[%mul3A_17] : memref<10240xf32, #tpu.memory_space<vmem_shared>> -> memref<640xf32, #tpu.memory_space<vmem_shared>>
      %dma_start3A_126 = tpu.memref_slice %arg6[%mul3A_17] : memref<10240xf32, #tpu.memory_space<vmem_shared>> -> memref<640xf32, #tpu.memory_space<vmem_shared>>
      tpu.enqueue_dma source(%dma_start3A_126 : memref<640xf32, #tpu.memory_space<vmem_shared>>) target(%arg17 : memref<640xf32, #tpu.memory_space<vmem>>) target_semaphore(%run_scoped3A_124 : memref<!tpu.dma_semaphore, #tpu.memory_space<semaphore_mem>>)
      %dma_wait3A_127 = tpu.memref_slice %arg6[%mul3A_17] : memref<10240xf32, #tpu.memory_space<vmem_shared>> -> memref<640xf32, #tpu.memory_space<vmem_shared>>
      %dma_wait3A_128 = tpu.memref_slice %arg6[%mul3A_17] : memref<10240xf32, #tpu.memory_space<vmem_shared>> -> memref<640xf32, #tpu.memory_space<vmem_shared>>
      tpu.wait_dma2 semaphore(%run_scoped3A_124 : memref<!tpu.dma_semaphore, #tpu.memory_space<semaphore_mem>>) src(%dma_wait3A_128 : memref<640xf32, #tpu.memory_space<vmem_shared>>) dst(%arg17 : memref<640xf32, #tpu.memory_space<vmem>>)
      tpu.yield
    }) : () -> ()
    %scan3A_42 = arith.constant 0 : i32
    %scan3A_43 = arith.constant 0 : i32
    %scan3A_44 = arith.constant 40 : i32
    %scan3A_45 = arith.addi %scan3A_43, %scan3A_44 : i32
    %scan3A_46 = arith.constant 1 : i32
    scf.for %scan3A_124 = %scan3A_43 to %scan3A_45 step %scan3A_46  : i32 {
      %mul3A_125 = arith.constant 16 : i32
      %mul3A_126 = arith.muli %scan3A_124, %mul3A_125 : i32
      %get3A = arith.index_cast %mul3A_126 : i32 to index
      %get3A_127 = tpu.vector_load %arg17[%get3A] {strides = array<i32>} : memref<640xf32, #tpu.memory_space<vmem>>, vector<16xf32>,
      %get3A_128 = vector.shape_cast %get3A_127 : vector<16xf32> to vector<16xf32>
      %max3A = arith.constant 1.000000e+00 : f32
      %max3A_129 = vector.broadcast %max3A : f32 to vector<16xf32>
      %max3A_130 = arith.maximumf %get3A_128, %max3A_129 : vector<16xf32>
      %bitcast_convert_type3A = tpu.bitcast %max3A_130 : vector<16xf32> -> vector<16xi32>
      %shift_right_arithmetic3A = arith.constant 1 : i32
      %shift_right_arithmetic3A_131 = vector.broadcast %shift_right_arithmetic3A : i32 to vector<16xi32>
      %shift_right_arithmetic3A_132 = arith.shrsi %bitcast_convert_type3A, %shift_right_arithmetic3A_131 : vector<16xi32>
      %sub3A = arith.constant 1597463007 : i32
      %sub3A_133 = vector.broadcast %sub3A : i32 to vector<16xi32>
      %sub3A_134 = arith.subi %sub3A_133, %shift_right_arithmetic3A_132 : vector<16xi32>
      %bitcast_convert_type3A_135 = tpu.bitcast %sub3A_134 : vector<16xi32> -> vector<16xf32>
      %mul3A_136 = arith.constant 5.000000e-01 : f32
      %mul3A_137 = vector.broadcast %mul3A_136 : f32 to vector<16xf32>
      %mul3A_138 = arith.mulf %mul3A_137, %max3A_130 : vector<16xf32>
      %mul3A_139 = arith.mulf %mul3A_138, %bitcast_convert_type3A_135 : vector<16xf32>
      %mul3A_140 = arith.mulf %mul3A_139, %bitcast_convert_type3A_135 : vector<16xf32>
      %sub3A_141 = arith.constant 1.500000e+00 : f32
      %sub3A_142 = vector.broadcast %sub3A_141 : f32 to vector<16xf32>
      %sub3A_143 = arith.subf %sub3A_142, %mul3A_140 : vector<16xf32>
      %mul3A_144 = arith.mulf %bitcast_convert_type3A_135, %sub3A_143 : vector<16xf32>
      %mul3A_145 = arith.constant 5.000000e-01 : f32
      %mul3A_146 = vector.broadcast %mul3A_145 : f32 to vector<16xf32>
      %mul3A_147 = arith.mulf %mul3A_146, %max3A_130 : vector<16xf32>
      %mul3A_148 = arith.mulf %mul3A_147, %mul3A_144 : vector<16xf32>
      %mul3A_149 = arith.mulf %mul3A_148, %mul3A_144 : vector<16xf32>
      %sub3A_150 = arith.constant 1.500000e+00 : f32
      %sub3A_151 = vector.broadcast %sub3A_150 : f32 to vector<16xf32>
      %sub3A_152 = arith.subf %sub3A_151, %mul3A_149 : vector<16xf32>
      %mul3A_153 = arith.mulf %mul3A_144, %sub3A_152 : vector<16xf32>
      %mul3A_154 = arith.constant 5.000000e-01 : f32
      %mul3A_155 = vector.broadcast %mul3A_154 : f32 to vector<16xf32>
      %mul3A_156 = arith.mulf %mul3A_155, %max3A_130 : vector<16xf32>
      %mul3A_157 = arith.mulf %mul3A_156, %mul3A_153 : vector<16xf32>
      %mul3A_158 = arith.mulf %mul3A_157, %mul3A_153 : vector<16xf32>
      %sub3A_159 = arith.constant 1.500000e+00 : f32
      %sub3A_160 = vector.broadcast %sub3A_159 : f32 to vector<16xf32>
      %sub3A_161 = arith.subf %sub3A_160, %mul3A_158 : vector<16xf32>
      %mul3A_162 = arith.mulf %mul3A_153, %sub3A_161 : vector<16xf32>
      %swap3A = arith.index_cast %mul3A_126 : i32 to index
      %swap3A_163 = tpu.vector_load %arg18[%swap3A] {strides = array<i32>} : memref<640xf32, #tpu.memory_space<vmem>>, vector<16xf32>,
      %swap3A_164 = vector.shape_cast %swap3A_163 : vector<16xf32> to vector<16xf32>
      %swap3A_165 = vector.shape_cast %mul3A_162 : vector<16xf32> to vector<16xf32>
      tpu.vector_store %arg18[%swap3A], %swap3A_165 {strides = array<i32>} : memref<640xf32, #tpu.memory_space<vmem>>, vector<16xf32>,
      %mul3A_166 = arith.mulf %mul3A_162, %mul3A_162 : vector<16xf32>
      %swap3A_167 = arith.index_cast %mul3A_126 : i32 to index
      %swap3A_168 = tpu.vector_load %arg19[%swap3A_167] {strides = array<i32>} : memref<640xf32, #tpu.memory_space<vmem>>, vector<16xf32>,
      %swap3A_169 = vector.shape_cast %swap3A_168 : vector<16xf32> to vector<16xf32>
      %swap3A_170 = vector.shape_cast %mul3A_166 : vector<16xf32> to vector<16xf32>
      tpu.vector_store %arg19[%swap3A_167], %swap3A_170 {strides = array<i32>} : memref<640xf32, #tpu.memory_space<vmem>>, vector<16xf32>,
      %mul3A_171 = arith.mulf %get3A_128, %mul3A_162 : vector<16xf32>
      %select_n3A = arith.select %eq3A_0, %mul3A_171, %mul3A_162 : vector<16xf32>
      %swap3A_172 = arith.index_cast %mul3A_126 : i32 to index
      %swap3A_173 = tpu.vector_load %arg17[%swap3A_172] {strides = array<i32>} : memref<640xf32, #tpu.memory_space<vmem>>, vector<16xf32>,
      %swap3A_174 = vector.shape_cast %swap3A_173 : vector<16xf32> to vector<16xf32>
      %swap3A_175 = vector.shape_cast %select_n3A : vector<16xf32> to vector<16xf32>
      tpu.vector_store %arg17[%swap3A_172], %swap3A_175 {strides = array<i32>} : memref<640xf32, #tpu.memory_space<vmem>>, vector<16xf32>,
    }
    %scan3A_47 = arith.constant 40 : i32
    "tpu.region"() ({
      %run_scoped3A_124 = tpu.sem_alloc : memref<!tpu.dma_semaphore, #tpu.memory_space<semaphore_mem>>
      %dma_start3A_125 = tpu.memref_slice %arg5[%mul3A_17] : memref<10240xf32, #tpu.memory_space<vmem_shared>> -> memref<640xf32, #tpu.memory_space<vmem_shared>>
      %dma_start3A_126 = tpu.memref_slice %arg5[%mul3A_17] : memref<10240xf32, #tpu.memory_space<vmem_shared>> -> memref<640xf32, #tpu.memory_space<vmem_shared>>
      tpu.enqueue_dma source(%arg17 : memref<640xf32, #tpu.memory_space<vmem>>) target(%dma_start3A_126 : memref<640xf32, #tpu.memory_space<vmem_shared>>) target_semaphore(%run_scoped3A_124 : memref<!tpu.dma_semaphore, #tpu.memory_space<semaphore_mem>>)
      %dma_wait3A_127 = tpu.memref_slice %arg5[%mul3A_17] : memref<10240xf32, #tpu.memory_space<vmem_shared>> -> memref<640xf32, #tpu.memory_space<vmem_shared>>
      %dma_wait3A_128 = tpu.memref_slice %arg5[%mul3A_17] : memref<10240xf32, #tpu.memory_space<vmem_shared>> -> memref<640xf32, #tpu.memory_space<vmem_shared>>
      tpu.wait_dma2 semaphore(%run_scoped3A_124 : memref<!tpu.dma_semaphore, #tpu.memory_space<semaphore_mem>>) src(%arg17 : memref<640xf32, #tpu.memory_space<vmem>>) dst(%dma_wait3A_128 : memref<640xf32, #tpu.memory_space<vmem_shared>>)
      tpu.yield
    }) : () -> ()
    "tpu.region"() ({
      %run_scoped3A_124 = tpu.sem_alloc : memref<!tpu.dma_semaphore, #tpu.memory_space<semaphore_mem>>
      %dma_start3A_125 = tpu.memref_slice %arg6[%mul3A_17] : memref<10240xf32, #tpu.memory_space<vmem_shared>> -> memref<640xf32, #tpu.memory_space<vmem_shared>>
      %dma_start3A_126 = tpu.memref_slice %arg6[%mul3A_17] : memref<10240xf32, #tpu.memory_space<vmem_shared>> -> memref<640xf32, #tpu.memory_space<vmem_shared>>
      tpu.enqueue_dma source(%arg16 : memref<640xf32, #tpu.memory_space<vmem>>) target(%dma_start3A_126 : memref<640xf32, #tpu.memory_space<vmem_shared>>) target_semaphore(%run_scoped3A_124 : memref<!tpu.dma_semaphore, #tpu.memory_space<semaphore_mem>>)
      %dma_wait3A_127 = tpu.memref_slice %arg6[%mul3A_17] : memref<10240xf32, #tpu.memory_space<vmem_shared>> -> memref<640xf32, #tpu.memory_space<vmem_shared>>
      %dma_wait3A_128 = tpu.memref_slice %arg6[%mul3A_17] : memref<10240xf32, #tpu.memory_space<vmem_shared>> -> memref<640xf32, #tpu.memory_space<vmem_shared>>
      tpu.wait_dma2 semaphore(%run_scoped3A_124 : memref<!tpu.dma_semaphore, #tpu.memory_space<semaphore_mem>>) src(%arg16 : memref<640xf32, #tpu.memory_space<vmem>>) dst(%dma_wait3A_128 : memref<640xf32, #tpu.memory_space<vmem_shared>>)
      tpu.yield
    }) : () -> ()
    %barrier3A_48 = arith.constant 0 : index
    tpu.barrier barrier_id(%barrier3A_48)
    %scan3A_49 = arith.constant 0 : i32
    %scan3A_50 = arith.constant 0 : i32
    %scan3A_51 = arith.constant 8 : i32
    %scan3A_52 = arith.addi %scan3A_50, %scan3A_51 : i32
    %scan3A_53 = arith.constant 1 : i32
    scf.for %scan3A_124 = %scan3A_50 to %scan3A_52 step %scan3A_53  : i32 {
      %add3A = arith.constant 0 : i32
      %add3A_125 = arith.addi %add3A, %scan3A_124 : i32
      %dma_start3A_126 = arith.constant 0 : i32
      %dma_start3A_127 = tpu.memref_slice %arg14[%add3A_125, %dma_start3A_126] : memref<80x128xf32, #tpu.memory_space<vmem>> -> memref<1x128xf32, #tpu.memory_space<vmem>>
      %dma_start3A_128 = tpu.memref_squeeze %dma_start3A_127 : memref<1x128xf32, #tpu.memory_space<vmem>> -> memref<128xf32, #tpu.memory_space<vmem>>
      %dma_start3A_129 = arith.constant 0 : i32
      %dma_start3A_130 = tpu.memref_slice %arg11[%add3A_125, %dma_start3A_129] : memref<80x128xi32, #tpu.memory_space<vmem>> -> memref<1x128xi32, #tpu.memory_space<vmem>>
      %dma_start3A_131 = tpu.memref_squeeze %dma_start3A_130 : memref<1x128xi32, #tpu.memory_space<vmem>> -> memref<128xi32, #tpu.memory_space<vmem>>
      %dma_start3A_132 = arith.constant 0 : i32
      %dma_start3A_133 = tpu.memref_slice %arg5[%dma_start3A_132] : memref<10240xf32, #tpu.memory_space<vmem_shared>> -> memref<10240xf32, #tpu.memory_space<vmem_shared>>
      tpu.enqueue_indirect_dma source(%dma_start3A_133 : memref<10240xf32, #tpu.memory_space<vmem_shared>>) target(%dma_start3A_128 : memref<128xf32, #tpu.memory_space<vmem>>) offsets(%dma_start3A_131 : memref<128xi32, #tpu.memory_space<vmem>>) semaphore(%arg22 : memref<!tpu.dma_semaphore, #tpu.memory_space<semaphore_mem>>)
    }
    %scan3A_54 = arith.constant 8 : i32
    %scan3A_55 = arith.constant 0 : i32
    %scan3A_56 = arith.constant 0 : i32
    %scan3A_57 = arith.constant 10 : i32
    %scan3A_58 = arith.addi %scan3A_56, %scan3A_57 : i32
    %scan3A_59 = arith.constant 1 : i32
    scf.for %scan3A_124 = %scan3A_56 to %scan3A_58 step %scan3A_59  : i32 {
      %scan3A_125 = arith.constant 0 : i32
      %scan3A_126 = arith.constant 0 : i32
      %scan3A_127 = arith.constant 8 : i32
      %scan3A_128 = arith.addi %scan3A_126, %scan3A_127 : i32
      %scan3A_129 = arith.constant 1 : i32
      scf.for %scan3A_146 = %scan3A_126 to %scan3A_128 step %scan3A_129  : i32 {
        %mul3A_147 = arith.constant 8 : i32
        %mul3A_148 = arith.muli %scan3A_124, %mul3A_147 : i32
        %add3A_149 = arith.addi %mul3A_148, %scan3A_146 : i32
        %dma_wait3A_150 = arith.constant 0 : i32
        %dma_wait3A_151 = tpu.memref_slice %arg14[%add3A_149, %dma_wait3A_150] : memref<80x128xf32, #tpu.memory_space<vmem>> -> memref<1x128xf32, #tpu.memory_space<vmem>>
        %dma_wait3A_152 = tpu.memref_squeeze %dma_wait3A_151 : memref<1x128xf32, #tpu.memory_space<vmem>> -> memref<128xf32, #tpu.memory_space<vmem>>
        %dma_wait3A_153 = arith.constant 0 : i32
        %dma_wait3A_154 = tpu.memref_slice %arg11[%add3A_149, %dma_wait3A_153] : memref<80x128xi32, #tpu.memory_space<vmem>> -> memref<1x128xi32, #tpu.memory_space<vmem>>
        %dma_wait3A_155 = tpu.memref_squeeze %dma_wait3A_154 : memref<1x128xi32, #tpu.memory_space<vmem>> -> memref<128xi32, #tpu.memory_space<vmem>>
        %dma_wait3A_156 = arith.constant 0 : i32
        %dma_wait3A_157 = tpu.memref_slice %arg5[%dma_wait3A_156] : memref<10240xf32, #tpu.memory_space<vmem_shared>> -> memref<10240xf32, #tpu.memory_space<vmem_shared>>
        tpu.wait_indirect_dma semaphore(%arg22 : memref<!tpu.dma_semaphore, #tpu.memory_space<semaphore_mem>>) src(%dma_wait3A_157 : memref<10240xf32, #tpu.memory_space<vmem_shared>>) dst(%dma_wait3A_152 : memref<128xf32, #tpu.memory_space<vmem>>)
      }
      %scan3A_130 = arith.constant 8 : i32
      %add3A = arith.constant 1 : i32
      %add3A_131 = arith.addi %scan3A_124, %add3A : i32
      %lt3A = arith.constant 10 : i32
      %lt3A_132 = arith.cmpi slt, %add3A_131, %lt3A : i32
      %convert_element_type3A_133 = arith.extui %lt3A_132 : i1 to i32
      %cond3A_134 = arith.constant 0 : i32
      %cond3A_135 = arith.cmpi ne, %convert_element_type3A_133, %cond3A_134 : i32
      scf.if %cond3A_135 {
        %add3A_146 = arith.constant 1 : i32
        %add3A_147 = arith.addi %scan3A_124, %add3A_146 : i32
        %scan3A_148 = arith.constant 0 : i32
        %scan3A_149 = arith.constant 0 : i32
        %scan3A_150 = arith.constant 8 : i32
        %scan3A_151 = arith.addi %scan3A_149, %scan3A_150 : i32
        %scan3A_152 = arith.constant 1 : i32
        scf.for %scan3A_154 = %scan3A_149 to %scan3A_151 step %scan3A_152  : i32 {
          %mul3A_155 = arith.constant 8 : i32
          %mul3A_156 = arith.muli %add3A_147, %mul3A_155 : i32
          %add3A_157 = arith.addi %mul3A_156, %scan3A_154 : i32
          %dma_start3A_158 = arith.constant 0 : i32
          %dma_start3A_159 = tpu.memref_slice %arg14[%add3A_157, %dma_start3A_158] : memref<80x128xf32, #tpu.memory_space<vmem>> -> memref<1x128xf32, #tpu.memory_space<vmem>>
          %dma_start3A_160 = tpu.memref_squeeze %dma_start3A_159 : memref<1x128xf32, #tpu.memory_space<vmem>> -> memref<128xf32, #tpu.memory_space<vmem>>
          %dma_start3A_161 = arith.constant 0 : i32
          %dma_start3A_162 = tpu.memref_slice %arg11[%add3A_157, %dma_start3A_161] : memref<80x128xi32, #tpu.memory_space<vmem>> -> memref<1x128xi32, #tpu.memory_space<vmem>>
          %dma_start3A_163 = tpu.memref_squeeze %dma_start3A_162 : memref<1x128xi32, #tpu.memory_space<vmem>> -> memref<128xi32, #tpu.memory_space<vmem>>
          %dma_start3A_164 = arith.constant 0 : i32
          %dma_start3A_165 = tpu.memref_slice %arg5[%dma_start3A_164] : memref<10240xf32, #tpu.memory_space<vmem_shared>> -> memref<10240xf32, #tpu.memory_space<vmem_shared>>
          tpu.enqueue_indirect_dma source(%dma_start3A_165 : memref<10240xf32, #tpu.memory_space<vmem_shared>>) target(%dma_start3A_160 : memref<128xf32, #tpu.memory_space<vmem>>) offsets(%dma_start3A_163 : memref<128xi32, #tpu.memory_space<vmem>>) semaphore(%arg22 : memref<!tpu.dma_semaphore, #tpu.memory_space<semaphore_mem>>)
        }
        %scan3A_153 = arith.constant 8 : i32
      } else {
      }
      %gt3A = arith.constant 0 : i32
      %gt3A_136 = arith.cmpi sgt, %scan3A_124, %gt3A : i32
      %convert_element_type3A_137 = arith.extui %gt3A_136 : i1 to i32
      %cond3A_138 = arith.constant 0 : i32
      %cond3A_139 = arith.cmpi ne, %convert_element_type3A_137, %cond3A_138 : i32
      scf.if %cond3A_139 {
        %sub3A = arith.constant 1 : i32
        %sub3A_146 = arith.subi %scan3A_124, %sub3A : i32
        %scan3A_147 = arith.constant 0 : i32
        %scan3A_148 = arith.constant 0 : i32
        %scan3A_149 = arith.constant 8 : i32
        %scan3A_150 = arith.addi %scan3A_148, %scan3A_149 : i32
        %scan3A_151 = arith.constant 1 : i32
        scf.for %scan3A_153 = %scan3A_148 to %scan3A_150 step %scan3A_151  : i32 {
          %mul3A_154 = arith.constant 8 : i32
          %mul3A_155 = arith.muli %sub3A_146, %mul3A_154 : i32
          %add3A_156 = arith.addi %mul3A_155, %scan3A_153 : i32
          %dma_wait3A_157 = arith.constant 0 : i32
          %dma_wait3A_158 = tpu.memref_slice %arg14[%add3A_156, %dma_wait3A_157] : memref<80x128xf32, #tpu.memory_space<vmem>> -> memref<1x128xf32, #tpu.memory_space<vmem>>
          %dma_wait3A_159 = tpu.memref_squeeze %dma_wait3A_158 : memref<1x128xf32, #tpu.memory_space<vmem>> -> memref<128xf32, #tpu.memory_space<vmem>>
          %dma_wait3A_160 = arith.constant 0 : i32
          %dma_wait3A_161 = tpu.memref_slice %arg12[%add3A_156, %dma_wait3A_160] : memref<80x128xi32, #tpu.memory_space<vmem>> -> memref<1x128xi32, #tpu.memory_space<vmem>>
          %dma_wait3A_162 = tpu.memref_squeeze %dma_wait3A_161 : memref<1x128xi32, #tpu.memory_space<vmem>> -> memref<128xi32, #tpu.memory_space<vmem>>
          %dma_wait3A_163 = arith.constant 0 : i32
          %dma_wait3A_164 = tpu.memref_slice %arg6[%dma_wait3A_163] : memref<10240xf32, #tpu.memory_space<vmem_shared>> -> memref<10240xf32, #tpu.memory_space<vmem_shared>>
          tpu.wait_indirect_dma semaphore(%arg23 : memref<!tpu.dma_semaphore, #tpu.memory_space<semaphore_mem>>) src(%dma_wait3A_159 : memref<128xf32, #tpu.memory_space<vmem>>) dst(%dma_wait3A_164 : memref<10240xf32, #tpu.memory_space<vmem_shared>>)
        }
        %scan3A_152 = arith.constant 8 : i32
      } else {
      }
      %scan3A_140 = arith.constant 0 : i32
      %scan3A_141 = arith.constant 0 : i32
      %scan3A_142 = arith.constant 8 : i32
      %scan3A_143 = arith.addi %scan3A_141, %scan3A_142 : i32
      %scan3A_144 = arith.constant 1 : i32
      scf.for %scan3A_146 = %scan3A_141 to %scan3A_143 step %scan3A_144  : i32 {
        %mul3A_147 = arith.constant 8 : i32
        %mul3A_148 = arith.muli %scan3A_124, %mul3A_147 : i32
        %add3A_149 = arith.addi %mul3A_148, %scan3A_146 : i32
        %dma_start3A_150 = arith.constant 0 : i32
        %dma_start3A_151 = tpu.memref_slice %arg14[%add3A_149, %dma_start3A_150] : memref<80x128xf32, #tpu.memory_space<vmem>> -> memref<1x128xf32, #tpu.memory_space<vmem>>
        %dma_start3A_152 = tpu.memref_squeeze %dma_start3A_151 : memref<1x128xf32, #tpu.memory_space<vmem>> -> memref<128xf32, #tpu.memory_space<vmem>>
        %dma_start3A_153 = arith.constant 0 : i32
        %dma_start3A_154 = tpu.memref_slice %arg12[%add3A_149, %dma_start3A_153] : memref<80x128xi32, #tpu.memory_space<vmem>> -> memref<1x128xi32, #tpu.memory_space<vmem>>
        %dma_start3A_155 = tpu.memref_squeeze %dma_start3A_154 : memref<1x128xi32, #tpu.memory_space<vmem>> -> memref<128xi32, #tpu.memory_space<vmem>>
        %dma_start3A_156 = arith.constant 0 : i32
        %dma_start3A_157 = tpu.memref_slice %arg6[%dma_start3A_156] : memref<10240xf32, #tpu.memory_space<vmem_shared>> -> memref<10240xf32, #tpu.memory_space<vmem_shared>>
        tpu.enqueue_indirect_dma source(%dma_start3A_152 : memref<128xf32, #tpu.memory_space<vmem>>) target(%dma_start3A_157 : memref<10240xf32, #tpu.memory_space<vmem_shared>>) offsets(%dma_start3A_155 : memref<128xi32, #tpu.memory_space<vmem>>) semaphore(%arg23 : memref<!tpu.dma_semaphore, #tpu.memory_space<semaphore_mem>>) {add = true}
      }
      %scan3A_145 = arith.constant 8 : i32
    }
    %scan3A_60 = arith.constant 10 : i32
    %scan3A_61 = arith.constant 0 : i32
    %scan3A_62 = arith.constant 0 : i32
    %scan3A_63 = arith.constant 8 : i32
    %scan3A_64 = arith.addi %scan3A_62, %scan3A_63 : i32
    %scan3A_65 = arith.constant 1 : i32
    scf.for %scan3A_124 = %scan3A_62 to %scan3A_64 step %scan3A_65  : i32 {
      %add3A = arith.constant 72 : i32
      %add3A_125 = arith.addi %add3A, %scan3A_124 : i32
      %dma_wait3A_126 = arith.constant 0 : i32
      %dma_wait3A_127 = tpu.memref_slice %arg14[%add3A_125, %dma_wait3A_126] : memref<80x128xf32, #tpu.memory_space<vmem>> -> memref<1x128xf32, #tpu.memory_space<vmem>>
      %dma_wait3A_128 = tpu.memref_squeeze %dma_wait3A_127 : memref<1x128xf32, #tpu.memory_space<vmem>> -> memref<128xf32, #tpu.memory_space<vmem>>
      %dma_wait3A_129 = arith.constant 0 : i32
      %dma_wait3A_130 = tpu.memref_slice %arg12[%add3A_125, %dma_wait3A_129] : memref<80x128xi32, #tpu.memory_space<vmem>> -> memref<1x128xi32, #tpu.memory_space<vmem>>
      %dma_wait3A_131 = tpu.memref_squeeze %dma_wait3A_130 : memref<1x128xi32, #tpu.memory_space<vmem>> -> memref<128xi32, #tpu.memory_space<vmem>>
      %dma_wait3A_132 = arith.constant 0 : i32
      %dma_wait3A_133 = tpu.memref_slice %arg6[%dma_wait3A_132] : memref<10240xf32, #tpu.memory_space<vmem_shared>> -> memref<10240xf32, #tpu.memory_space<vmem_shared>>
      tpu.wait_indirect_dma semaphore(%arg23 : memref<!tpu.dma_semaphore, #tpu.memory_space<semaphore_mem>>) src(%dma_wait3A_128 : memref<128xf32, #tpu.memory_space<vmem>>) dst(%dma_wait3A_133 : memref<10240xf32, #tpu.memory_space<vmem_shared>>)
    }
    %scan3A_66 = arith.constant 8 : i32
    %barrier3A_67 = arith.constant 0 : index
    tpu.barrier barrier_id(%barrier3A_67)
    "tpu.region"() ({
      %run_scoped3A_124 = tpu.sem_alloc : memref<!tpu.dma_semaphore, #tpu.memory_space<semaphore_mem>>
      %dma_start3A_125 = tpu.memref_slice %arg6[%mul3A_17] : memref<10240xf32, #tpu.memory_space<vmem_shared>> -> memref<640xf32, #tpu.memory_space<vmem_shared>>
      %dma_start3A_126 = tpu.memref_slice %arg6[%mul3A_17] : memref<10240xf32, #tpu.memory_space<vmem_shared>> -> memref<640xf32, #tpu.memory_space<vmem_shared>>
      tpu.enqueue_dma source(%dma_start3A_126 : memref<640xf32, #tpu.memory_space<vmem_shared>>) target(%arg17 : memref<640xf32, #tpu.memory_space<vmem>>) target_semaphore(%run_scoped3A_124 : memref<!tpu.dma_semaphore, #tpu.memory_space<semaphore_mem>>)
      %dma_wait3A_127 = tpu.memref_slice %arg6[%mul3A_17] : memref<10240xf32, #tpu.memory_space<vmem_shared>> -> memref<640xf32, #tpu.memory_space<vmem_shared>>
      %dma_wait3A_128 = tpu.memref_slice %arg6[%mul3A_17] : memref<10240xf32, #tpu.memory_space<vmem_shared>> -> memref<640xf32, #tpu.memory_space<vmem_shared>>
      tpu.wait_dma2 semaphore(%run_scoped3A_124 : memref<!tpu.dma_semaphore, #tpu.memory_space<semaphore_mem>>) src(%dma_wait3A_128 : memref<640xf32, #tpu.memory_space<vmem_shared>>) dst(%arg17 : memref<640xf32, #tpu.memory_space<vmem>>)
      tpu.yield
    }) : () -> ()
    %scan3A_68 = arith.constant 0 : i32
    %scan3A_69 = arith.constant 0 : i32
    %scan3A_70 = arith.constant 40 : i32
    %scan3A_71 = arith.addi %scan3A_69, %scan3A_70 : i32
    %scan3A_72 = arith.constant 1 : i32
    scf.for %scan3A_124 = %scan3A_69 to %scan3A_71 step %scan3A_72  : i32 {
      %mul3A_125 = arith.constant 16 : i32
      %mul3A_126 = arith.muli %scan3A_124, %mul3A_125 : i32
      %get3A = arith.index_cast %mul3A_126 : i32 to index
      %get3A_127 = tpu.vector_load %arg17[%get3A] {strides = array<i32>} : memref<640xf32, #tpu.memory_space<vmem>>, vector<16xf32>,
      %get3A_128 = vector.shape_cast %get3A_127 : vector<16xf32> to vector<16xf32>
      %get3A_129 = arith.index_cast %mul3A_126 : i32 to index
      %get3A_130 = tpu.vector_load %arg18[%get3A_129] {strides = array<i32>} : memref<640xf32, #tpu.memory_space<vmem>>, vector<16xf32>,
      %get3A_131 = vector.shape_cast %get3A_130 : vector<16xf32> to vector<16xf32>
      %mul3A_132 = arith.mulf %get3A_131, %get3A_128 : vector<16xf32>
      %swap3A = arith.index_cast %mul3A_126 : i32 to index
      %swap3A_133 = tpu.vector_load %arg20[%swap3A] {strides = array<i32>} : memref<640xf32, #tpu.memory_space<vmem>>, vector<16xf32>,
      %swap3A_134 = vector.shape_cast %swap3A_133 : vector<16xf32> to vector<16xf32>
      %swap3A_135 = vector.shape_cast %mul3A_132 : vector<16xf32> to vector<16xf32>
      tpu.vector_store %arg20[%swap3A], %swap3A_135 {strides = array<i32>} : memref<640xf32, #tpu.memory_space<vmem>>, vector<16xf32>,
      %get3A_136 = arith.index_cast %mul3A_126 : i32 to index
      %get3A_137 = tpu.vector_load %arg19[%get3A_136] {strides = array<i32>} : memref<640xf32, #tpu.memory_space<vmem>>, vector<16xf32>,
      %get3A_138 = vector.shape_cast %get3A_137 : vector<16xf32> to vector<16xf32>
      %mul3A_139 = arith.mulf %get3A_138, %get3A_128 : vector<16xf32>
      %swap3A_140 = arith.index_cast %mul3A_126 : i32 to index
      %swap3A_141 = tpu.vector_load %arg17[%swap3A_140] {strides = array<i32>} : memref<640xf32, #tpu.memory_space<vmem>>, vector<16xf32>,
      %swap3A_142 = vector.shape_cast %swap3A_141 : vector<16xf32> to vector<16xf32>
      %swap3A_143 = vector.shape_cast %mul3A_139 : vector<16xf32> to vector<16xf32>
      tpu.vector_store %arg17[%swap3A_140], %swap3A_143 {strides = array<i32>} : memref<640xf32, #tpu.memory_space<vmem>>, vector<16xf32>,
    }
    %scan3A_73 = arith.constant 40 : i32
    "tpu.region"() ({
      %run_scoped3A_124 = tpu.sem_alloc : memref<!tpu.dma_semaphore, #tpu.memory_space<semaphore_mem>>
      %dma_start3A_125 = tpu.memref_slice %arg5[%mul3A_17] : memref<10240xf32, #tpu.memory_space<vmem_shared>> -> memref<640xf32, #tpu.memory_space<vmem_shared>>
      %dma_start3A_126 = tpu.memref_slice %arg5[%mul3A_17] : memref<10240xf32, #tpu.memory_space<vmem_shared>> -> memref<640xf32, #tpu.memory_space<vmem_shared>>
      tpu.enqueue_dma source(%arg17 : memref<640xf32, #tpu.memory_space<vmem>>) target(%dma_start3A_126 : memref<640xf32, #tpu.memory_space<vmem_shared>>) target_semaphore(%run_scoped3A_124 : memref<!tpu.dma_semaphore, #tpu.memory_space<semaphore_mem>>)
      %dma_wait3A_127 = tpu.memref_slice %arg5[%mul3A_17] : memref<10240xf32, #tpu.memory_space<vmem_shared>> -> memref<640xf32, #tpu.memory_space<vmem_shared>>
      %dma_wait3A_128 = tpu.memref_slice %arg5[%mul3A_17] : memref<10240xf32, #tpu.memory_space<vmem_shared>> -> memref<640xf32, #tpu.memory_space<vmem_shared>>
      tpu.wait_dma2 semaphore(%run_scoped3A_124 : memref<!tpu.dma_semaphore, #tpu.memory_space<semaphore_mem>>) src(%arg17 : memref<640xf32, #tpu.memory_space<vmem>>) dst(%dma_wait3A_128 : memref<640xf32, #tpu.memory_space<vmem_shared>>)
      tpu.yield
    }) : () -> ()
    "tpu.region"() ({
      %run_scoped3A_124 = tpu.sem_alloc : memref<!tpu.dma_semaphore, #tpu.memory_space<semaphore_mem>>
      %dma_start3A_125 = tpu.memref_slice %arg6[%mul3A_17] : memref<10240xf32, #tpu.memory_space<vmem_shared>> -> memref<640xf32, #tpu.memory_space<vmem_shared>>
      %dma_start3A_126 = tpu.memref_slice %arg6[%mul3A_17] : memref<10240xf32, #tpu.memory_space<vmem_shared>> -> memref<640xf32, #tpu.memory_space<vmem_shared>>
      tpu.enqueue_dma source(%arg16 : memref<640xf32, #tpu.memory_space<vmem>>) target(%dma_start3A_126 : memref<640xf32, #tpu.memory_space<vmem_shared>>) target_semaphore(%run_scoped3A_124 : memref<!tpu.dma_semaphore, #tpu.memory_space<semaphore_mem>>)
      %dma_wait3A_127 = tpu.memref_slice %arg6[%mul3A_17] : memref<10240xf32, #tpu.memory_space<vmem_shared>> -> memref<640xf32, #tpu.memory_space<vmem_shared>>
      %dma_wait3A_128 = tpu.memref_slice %arg6[%mul3A_17] : memref<10240xf32, #tpu.memory_space<vmem_shared>> -> memref<640xf32, #tpu.memory_space<vmem_shared>>
      tpu.wait_dma2 semaphore(%run_scoped3A_124 : memref<!tpu.dma_semaphore, #tpu.memory_space<semaphore_mem>>) src(%arg16 : memref<640xf32, #tpu.memory_space<vmem>>) dst(%dma_wait3A_128 : memref<640xf32, #tpu.memory_space<vmem_shared>>)
      tpu.yield
    }) : () -> ()
    %barrier3A_74 = arith.constant 0 : index
    tpu.barrier barrier_id(%barrier3A_74)
    %scan3A_75 = arith.constant 0 : i32
    %scan3A_76 = arith.constant 0 : i32
    %scan3A_77 = arith.constant 8 : i32
    %scan3A_78 = arith.addi %scan3A_76, %scan3A_77 : i32
    %scan3A_79 = arith.constant 1 : i32
    scf.for %scan3A_124 = %scan3A_76 to %scan3A_78 step %scan3A_79  : i32 {
      %add3A = arith.constant 0 : i32
      %add3A_125 = arith.addi %add3A, %scan3A_124 : i32
      %dma_start3A_126 = arith.constant 0 : i32
      %dma_start3A_127 = tpu.memref_slice %arg14[%add3A_125, %dma_start3A_126] : memref<80x128xf32, #tpu.memory_space<vmem>> -> memref<1x128xf32, #tpu.memory_space<vmem>>
      %dma_start3A_128 = tpu.memref_squeeze %dma_start3A_127 : memref<1x128xf32, #tpu.memory_space<vmem>> -> memref<128xf32, #tpu.memory_space<vmem>>
      %dma_start3A_129 = arith.constant 0 : i32
      %dma_start3A_130 = tpu.memref_slice %arg11[%add3A_125, %dma_start3A_129] : memref<80x128xi32, #tpu.memory_space<vmem>> -> memref<1x128xi32, #tpu.memory_space<vmem>>
      %dma_start3A_131 = tpu.memref_squeeze %dma_start3A_130 : memref<1x128xi32, #tpu.memory_space<vmem>> -> memref<128xi32, #tpu.memory_space<vmem>>
      %dma_start3A_132 = arith.constant 0 : i32
      %dma_start3A_133 = tpu.memref_slice %arg5[%dma_start3A_132] : memref<10240xf32, #tpu.memory_space<vmem_shared>> -> memref<10240xf32, #tpu.memory_space<vmem_shared>>
      tpu.enqueue_indirect_dma source(%dma_start3A_133 : memref<10240xf32, #tpu.memory_space<vmem_shared>>) target(%dma_start3A_128 : memref<128xf32, #tpu.memory_space<vmem>>) offsets(%dma_start3A_131 : memref<128xi32, #tpu.memory_space<vmem>>) semaphore(%arg22 : memref<!tpu.dma_semaphore, #tpu.memory_space<semaphore_mem>>)
    }
    %scan3A_80 = arith.constant 8 : i32
    %scan3A_81 = arith.constant 0 : i32
    %scan3A_82 = arith.constant 0 : i32
    %scan3A_83 = arith.constant 10 : i32
    %scan3A_84 = arith.addi %scan3A_82, %scan3A_83 : i32
    %scan3A_85 = arith.constant 1 : i32
    scf.for %scan3A_124 = %scan3A_82 to %scan3A_84 step %scan3A_85  : i32 {
      %scan3A_125 = arith.constant 0 : i32
      %scan3A_126 = arith.constant 0 : i32
      %scan3A_127 = arith.constant 8 : i32
      %scan3A_128 = arith.addi %scan3A_126, %scan3A_127 : i32
      %scan3A_129 = arith.constant 1 : i32
      scf.for %scan3A_146 = %scan3A_126 to %scan3A_128 step %scan3A_129  : i32 {
        %mul3A_147 = arith.constant 8 : i32
        %mul3A_148 = arith.muli %scan3A_124, %mul3A_147 : i32
        %add3A_149 = arith.addi %mul3A_148, %scan3A_146 : i32
        %dma_wait3A_150 = arith.constant 0 : i32
        %dma_wait3A_151 = tpu.memref_slice %arg14[%add3A_149, %dma_wait3A_150] : memref<80x128xf32, #tpu.memory_space<vmem>> -> memref<1x128xf32, #tpu.memory_space<vmem>>
        %dma_wait3A_152 = tpu.memref_squeeze %dma_wait3A_151 : memref<1x128xf32, #tpu.memory_space<vmem>> -> memref<128xf32, #tpu.memory_space<vmem>>
        %dma_wait3A_153 = arith.constant 0 : i32
        %dma_wait3A_154 = tpu.memref_slice %arg11[%add3A_149, %dma_wait3A_153] : memref<80x128xi32, #tpu.memory_space<vmem>> -> memref<1x128xi32, #tpu.memory_space<vmem>>
        %dma_wait3A_155 = tpu.memref_squeeze %dma_wait3A_154 : memref<1x128xi32, #tpu.memory_space<vmem>> -> memref<128xi32, #tpu.memory_space<vmem>>
        %dma_wait3A_156 = arith.constant 0 : i32
        %dma_wait3A_157 = tpu.memref_slice %arg5[%dma_wait3A_156] : memref<10240xf32, #tpu.memory_space<vmem_shared>> -> memref<10240xf32, #tpu.memory_space<vmem_shared>>
        tpu.wait_indirect_dma semaphore(%arg22 : memref<!tpu.dma_semaphore, #tpu.memory_space<semaphore_mem>>) src(%dma_wait3A_157 : memref<10240xf32, #tpu.memory_space<vmem_shared>>) dst(%dma_wait3A_152 : memref<128xf32, #tpu.memory_space<vmem>>)
      }
      %scan3A_130 = arith.constant 8 : i32
      %add3A = arith.constant 1 : i32
      %add3A_131 = arith.addi %scan3A_124, %add3A : i32
      %lt3A = arith.constant 10 : i32
      %lt3A_132 = arith.cmpi slt, %add3A_131, %lt3A : i32
      %convert_element_type3A_133 = arith.extui %lt3A_132 : i1 to i32
      %cond3A_134 = arith.constant 0 : i32
      %cond3A_135 = arith.cmpi ne, %convert_element_type3A_133, %cond3A_134 : i32
      scf.if %cond3A_135 {
        %add3A_146 = arith.constant 1 : i32
        %add3A_147 = arith.addi %scan3A_124, %add3A_146 : i32
        %scan3A_148 = arith.constant 0 : i32
        %scan3A_149 = arith.constant 0 : i32
        %scan3A_150 = arith.constant 8 : i32
        %scan3A_151 = arith.addi %scan3A_149, %scan3A_150 : i32
        %scan3A_152 = arith.constant 1 : i32
        scf.for %scan3A_154 = %scan3A_149 to %scan3A_151 step %scan3A_152  : i32 {
          %mul3A_155 = arith.constant 8 : i32
          %mul3A_156 = arith.muli %add3A_147, %mul3A_155 : i32
          %add3A_157 = arith.addi %mul3A_156, %scan3A_154 : i32
          %dma_start3A_158 = arith.constant 0 : i32
          %dma_start3A_159 = tpu.memref_slice %arg14[%add3A_157, %dma_start3A_158] : memref<80x128xf32, #tpu.memory_space<vmem>> -> memref<1x128xf32, #tpu.memory_space<vmem>>
          %dma_start3A_160 = tpu.memref_squeeze %dma_start3A_159 : memref<1x128xf32, #tpu.memory_space<vmem>> -> memref<128xf32, #tpu.memory_space<vmem>>
          %dma_start3A_161 = arith.constant 0 : i32
          %dma_start3A_162 = tpu.memref_slice %arg11[%add3A_157, %dma_start3A_161] : memref<80x128xi32, #tpu.memory_space<vmem>> -> memref<1x128xi32, #tpu.memory_space<vmem>>
          %dma_start3A_163 = tpu.memref_squeeze %dma_start3A_162 : memref<1x128xi32, #tpu.memory_space<vmem>> -> memref<128xi32, #tpu.memory_space<vmem>>
          %dma_start3A_164 = arith.constant 0 : i32
          %dma_start3A_165 = tpu.memref_slice %arg5[%dma_start3A_164] : memref<10240xf32, #tpu.memory_space<vmem_shared>> -> memref<10240xf32, #tpu.memory_space<vmem_shared>>
          tpu.enqueue_indirect_dma source(%dma_start3A_165 : memref<10240xf32, #tpu.memory_space<vmem_shared>>) target(%dma_start3A_160 : memref<128xf32, #tpu.memory_space<vmem>>) offsets(%dma_start3A_163 : memref<128xi32, #tpu.memory_space<vmem>>) semaphore(%arg22 : memref<!tpu.dma_semaphore, #tpu.memory_space<semaphore_mem>>)
        }
        %scan3A_153 = arith.constant 8 : i32
      } else {
      }
      %gt3A = arith.constant 0 : i32
      %gt3A_136 = arith.cmpi sgt, %scan3A_124, %gt3A : i32
      %convert_element_type3A_137 = arith.extui %gt3A_136 : i1 to i32
      %cond3A_138 = arith.constant 0 : i32
      %cond3A_139 = arith.cmpi ne, %convert_element_type3A_137, %cond3A_138 : i32
      scf.if %cond3A_139 {
        %sub3A = arith.constant 1 : i32
        %sub3A_146 = arith.subi %scan3A_124, %sub3A : i32
        %scan3A_147 = arith.constant 0 : i32
        %scan3A_148 = arith.constant 0 : i32
        %scan3A_149 = arith.constant 8 : i32
        %scan3A_150 = arith.addi %scan3A_148, %scan3A_149 : i32
        %scan3A_151 = arith.constant 1 : i32
        scf.for %scan3A_153 = %scan3A_148 to %scan3A_150 step %scan3A_151  : i32 {
          %mul3A_154 = arith.constant 8 : i32
          %mul3A_155 = arith.muli %sub3A_146, %mul3A_154 : i32
          %add3A_156 = arith.addi %mul3A_155, %scan3A_153 : i32
          %dma_wait3A_157 = arith.constant 0 : i32
          %dma_wait3A_158 = tpu.memref_slice %arg14[%add3A_156, %dma_wait3A_157] : memref<80x128xf32, #tpu.memory_space<vmem>> -> memref<1x128xf32, #tpu.memory_space<vmem>>
          %dma_wait3A_159 = tpu.memref_squeeze %dma_wait3A_158 : memref<1x128xf32, #tpu.memory_space<vmem>> -> memref<128xf32, #tpu.memory_space<vmem>>
          %dma_wait3A_160 = arith.constant 0 : i32
          %dma_wait3A_161 = tpu.memref_slice %arg12[%add3A_156, %dma_wait3A_160] : memref<80x128xi32, #tpu.memory_space<vmem>> -> memref<1x128xi32, #tpu.memory_space<vmem>>
          %dma_wait3A_162 = tpu.memref_squeeze %dma_wait3A_161 : memref<1x128xi32, #tpu.memory_space<vmem>> -> memref<128xi32, #tpu.memory_space<vmem>>
          %dma_wait3A_163 = arith.constant 0 : i32
          %dma_wait3A_164 = tpu.memref_slice %arg6[%dma_wait3A_163] : memref<10240xf32, #tpu.memory_space<vmem_shared>> -> memref<10240xf32, #tpu.memory_space<vmem_shared>>
          tpu.wait_indirect_dma semaphore(%arg23 : memref<!tpu.dma_semaphore, #tpu.memory_space<semaphore_mem>>) src(%dma_wait3A_159 : memref<128xf32, #tpu.memory_space<vmem>>) dst(%dma_wait3A_164 : memref<10240xf32, #tpu.memory_space<vmem_shared>>)
        }
        %scan3A_152 = arith.constant 8 : i32
      } else {
      }
      %scan3A_140 = arith.constant 0 : i32
      %scan3A_141 = arith.constant 0 : i32
      %scan3A_142 = arith.constant 8 : i32
      %scan3A_143 = arith.addi %scan3A_141, %scan3A_142 : i32
      %scan3A_144 = arith.constant 1 : i32
      scf.for %scan3A_146 = %scan3A_141 to %scan3A_143 step %scan3A_144  : i32 {
        %mul3A_147 = arith.constant 8 : i32
        %mul3A_148 = arith.muli %scan3A_124, %mul3A_147 : i32
        %add3A_149 = arith.addi %mul3A_148, %scan3A_146 : i32
        %dma_start3A_150 = arith.constant 0 : i32
        %dma_start3A_151 = tpu.memref_slice %arg14[%add3A_149, %dma_start3A_150] : memref<80x128xf32, #tpu.memory_space<vmem>> -> memref<1x128xf32, #tpu.memory_space<vmem>>
        %dma_start3A_152 = tpu.memref_squeeze %dma_start3A_151 : memref<1x128xf32, #tpu.memory_space<vmem>> -> memref<128xf32, #tpu.memory_space<vmem>>
        %dma_start3A_153 = arith.constant 0 : i32
        %dma_start3A_154 = tpu.memref_slice %arg12[%add3A_149, %dma_start3A_153] : memref<80x128xi32, #tpu.memory_space<vmem>> -> memref<1x128xi32, #tpu.memory_space<vmem>>
        %dma_start3A_155 = tpu.memref_squeeze %dma_start3A_154 : memref<1x128xi32, #tpu.memory_space<vmem>> -> memref<128xi32, #tpu.memory_space<vmem>>
        %dma_start3A_156 = arith.constant 0 : i32
        %dma_start3A_157 = tpu.memref_slice %arg6[%dma_start3A_156] : memref<10240xf32, #tpu.memory_space<vmem_shared>> -> memref<10240xf32, #tpu.memory_space<vmem_shared>>
        tpu.enqueue_indirect_dma source(%dma_start3A_152 : memref<128xf32, #tpu.memory_space<vmem>>) target(%dma_start3A_157 : memref<10240xf32, #tpu.memory_space<vmem_shared>>) offsets(%dma_start3A_155 : memref<128xi32, #tpu.memory_space<vmem>>) semaphore(%arg23 : memref<!tpu.dma_semaphore, #tpu.memory_space<semaphore_mem>>) {add = true}
      }
      %scan3A_145 = arith.constant 8 : i32
    }
    %scan3A_86 = arith.constant 10 : i32
    %scan3A_87 = arith.constant 0 : i32
    %scan3A_88 = arith.constant 0 : i32
    %scan3A_89 = arith.constant 8 : i32
    %scan3A_90 = arith.addi %scan3A_88, %scan3A_89 : i32
    %scan3A_91 = arith.constant 1 : i32
    scf.for %scan3A_124 = %scan3A_88 to %scan3A_90 step %scan3A_91  : i32 {
      %add3A = arith.constant 72 : i32
      %add3A_125 = arith.addi %add3A, %scan3A_124 : i32
      %dma_wait3A_126 = arith.constant 0 : i32
      %dma_wait3A_127 = tpu.memref_slice %arg14[%add3A_125, %dma_wait3A_126] : memref<80x128xf32, #tpu.memory_space<vmem>> -> memref<1x128xf32, #tpu.memory_space<vmem>>
      %dma_wait3A_128 = tpu.memref_squeeze %dma_wait3A_127 : memref<1x128xf32, #tpu.memory_space<vmem>> -> memref<128xf32, #tpu.memory_space<vmem>>
      %dma_wait3A_129 = arith.constant 0 : i32
      %dma_wait3A_130 = tpu.memref_slice %arg12[%add3A_125, %dma_wait3A_129] : memref<80x128xi32, #tpu.memory_space<vmem>> -> memref<1x128xi32, #tpu.memory_space<vmem>>
      %dma_wait3A_131 = tpu.memref_squeeze %dma_wait3A_130 : memref<1x128xi32, #tpu.memory_space<vmem>> -> memref<128xi32, #tpu.memory_space<vmem>>
      %dma_wait3A_132 = arith.constant 0 : i32
      %dma_wait3A_133 = tpu.memref_slice %arg6[%dma_wait3A_132] : memref<10240xf32, #tpu.memory_space<vmem_shared>> -> memref<10240xf32, #tpu.memory_space<vmem_shared>>
      tpu.wait_indirect_dma semaphore(%arg23 : memref<!tpu.dma_semaphore, #tpu.memory_space<semaphore_mem>>) src(%dma_wait3A_128 : memref<128xf32, #tpu.memory_space<vmem>>) dst(%dma_wait3A_133 : memref<10240xf32, #tpu.memory_space<vmem_shared>>)
    }
    %scan3A_92 = arith.constant 8 : i32
    %barrier3A_93 = arith.constant 0 : index
    tpu.barrier barrier_id(%barrier3A_93)
    "tpu.region"() ({
      %run_scoped3A_124 = tpu.sem_alloc : memref<!tpu.dma_semaphore, #tpu.memory_space<semaphore_mem>>
      %dma_start3A_125 = tpu.memref_slice %arg6[%mul3A_17] : memref<10240xf32, #tpu.memory_space<vmem_shared>> -> memref<640xf32, #tpu.memory_space<vmem_shared>>
      %dma_start3A_126 = tpu.memref_slice %arg6[%mul3A_17] : memref<10240xf32, #tpu.memory_space<vmem_shared>> -> memref<640xf32, #tpu.memory_space<vmem_shared>>
      tpu.enqueue_dma source(%dma_start3A_126 : memref<640xf32, #tpu.memory_space<vmem_shared>>) target(%arg17 : memref<640xf32, #tpu.memory_space<vmem>>) target_semaphore(%run_scoped3A_124 : memref<!tpu.dma_semaphore, #tpu.memory_space<semaphore_mem>>)
      %dma_wait3A_127 = tpu.memref_slice %arg6[%mul3A_17] : memref<10240xf32, #tpu.memory_space<vmem_shared>> -> memref<640xf32, #tpu.memory_space<vmem_shared>>
      %dma_wait3A_128 = tpu.memref_slice %arg6[%mul3A_17] : memref<10240xf32, #tpu.memory_space<vmem_shared>> -> memref<640xf32, #tpu.memory_space<vmem_shared>>
      tpu.wait_dma2 semaphore(%run_scoped3A_124 : memref<!tpu.dma_semaphore, #tpu.memory_space<semaphore_mem>>) src(%dma_wait3A_128 : memref<640xf32, #tpu.memory_space<vmem_shared>>) dst(%arg17 : memref<640xf32, #tpu.memory_space<vmem>>)
      tpu.yield
    }) : () -> ()
    %scan3A_94 = arith.constant 0 : i32
    %scan3A_95 = arith.constant 0 : i32
    %scan3A_96 = arith.constant 40 : i32
    %scan3A_97 = arith.addi %scan3A_95, %scan3A_96 : i32
    %scan3A_98 = arith.constant 1 : i32
    scf.for %scan3A_124 = %scan3A_95 to %scan3A_97 step %scan3A_98  : i32 {
      %mul3A_125 = arith.constant 16 : i32
      %mul3A_126 = arith.muli %scan3A_124, %mul3A_125 : i32
      %get3A = arith.index_cast %mul3A_126 : i32 to index
      %get3A_127 = tpu.vector_load %arg17[%get3A] {strides = array<i32>} : memref<640xf32, #tpu.memory_space<vmem>>, vector<16xf32>,
      %get3A_128 = vector.shape_cast %get3A_127 : vector<16xf32> to vector<16xf32>
      %get3A_129 = arith.index_cast %mul3A_126 : i32 to index
      %get3A_130 = tpu.vector_load %arg18[%get3A_129] {strides = array<i32>} : memref<640xf32, #tpu.memory_space<vmem>>, vector<16xf32>,
      %get3A_131 = vector.shape_cast %get3A_130 : vector<16xf32> to vector<16xf32>
      %mul3A_132 = arith.mulf %get3A_131, %get3A_128 : vector<16xf32>
      %swap3A = arith.index_cast %mul3A_126 : i32 to index
      %swap3A_133 = tpu.vector_load %arg21[%swap3A] {strides = array<i32>} : memref<640xf32, #tpu.memory_space<vmem>>, vector<16xf32>,
      %swap3A_134 = vector.shape_cast %swap3A_133 : vector<16xf32> to vector<16xf32>
      %swap3A_135 = vector.shape_cast %mul3A_132 : vector<16xf32> to vector<16xf32>
      tpu.vector_store %arg21[%swap3A], %swap3A_135 {strides = array<i32>} : memref<640xf32, #tpu.memory_space<vmem>>, vector<16xf32>,
      %get3A_136 = arith.index_cast %mul3A_126 : i32 to index
      %get3A_137 = tpu.vector_load %arg19[%get3A_136] {strides = array<i32>} : memref<640xf32, #tpu.memory_space<vmem>>, vector<16xf32>,
      %get3A_138 = vector.shape_cast %get3A_137 : vector<16xf32> to vector<16xf32>
      %mul3A_139 = arith.mulf %get3A_138, %get3A_128 : vector<16xf32>
      %swap3A_140 = arith.index_cast %mul3A_126 : i32 to index
      %swap3A_141 = tpu.vector_load %arg17[%swap3A_140] {strides = array<i32>} : memref<640xf32, #tpu.memory_space<vmem>>, vector<16xf32>,
      %swap3A_142 = vector.shape_cast %swap3A_141 : vector<16xf32> to vector<16xf32>
      %swap3A_143 = vector.shape_cast %mul3A_139 : vector<16xf32> to vector<16xf32>
      tpu.vector_store %arg17[%swap3A_140], %swap3A_143 {strides = array<i32>} : memref<640xf32, #tpu.memory_space<vmem>>, vector<16xf32>,
    }
    %scan3A_99 = arith.constant 40 : i32
    %convert_element_type3A_100 = arith.extui %eq3A_0 : i1 to i32
    %cond3A_101 = arith.constant 0 : i32
    %cond3A_102 = arith.cmpi ne, %convert_element_type3A_100, %cond3A_101 : i32
    scf.if %cond3A_102 {
      "tpu.region"() ({
        %run_scoped3A_150 = tpu.sem_alloc : memref<!tpu.dma_semaphore, #tpu.memory_space<semaphore_mem>>
        %dma_start3A_151 = tpu.memref_slice %arg5[%mul3A_17] : memref<10240xf32, #tpu.memory_space<vmem_shared>> -> memref<640xf32, #tpu.memory_space<vmem_shared>>
        %dma_start3A_152 = tpu.memref_slice %arg5[%mul3A_17] : memref<10240xf32, #tpu.memory_space<vmem_shared>> -> memref<640xf32, #tpu.memory_space<vmem_shared>>
        tpu.enqueue_dma source(%arg17 : memref<640xf32, #tpu.memory_space<vmem>>) target(%dma_start3A_152 : memref<640xf32, #tpu.memory_space<vmem_shared>>) target_semaphore(%run_scoped3A_150 : memref<!tpu.dma_semaphore, #tpu.memory_space<semaphore_mem>>)
        %dma_wait3A_153 = tpu.memref_slice %arg5[%mul3A_17] : memref<10240xf32, #tpu.memory_space<vmem_shared>> -> memref<640xf32, #tpu.memory_space<vmem_shared>>
        %dma_wait3A_154 = tpu.memref_slice %arg5[%mul3A_17] : memref<10240xf32, #tpu.memory_space<vmem_shared>> -> memref<640xf32, #tpu.memory_space<vmem_shared>>
        tpu.wait_dma2 semaphore(%run_scoped3A_150 : memref<!tpu.dma_semaphore, #tpu.memory_space<semaphore_mem>>) src(%arg17 : memref<640xf32, #tpu.memory_space<vmem>>) dst(%dma_wait3A_154 : memref<640xf32, #tpu.memory_space<vmem_shared>>)
        tpu.yield
      }) : () -> ()
      "tpu.region"() ({
        %run_scoped3A_150 = tpu.sem_alloc : memref<!tpu.dma_semaphore, #tpu.memory_space<semaphore_mem>>
        %dma_start3A_151 = tpu.memref_slice %arg6[%mul3A_17] : memref<10240xf32, #tpu.memory_space<vmem_shared>> -> memref<640xf32, #tpu.memory_space<vmem_shared>>
        %dma_start3A_152 = tpu.memref_slice %arg6[%mul3A_17] : memref<10240xf32, #tpu.memory_space<vmem_shared>> -> memref<640xf32, #tpu.memory_space<vmem_shared>>
        tpu.enqueue_dma source(%arg16 : memref<640xf32, #tpu.memory_space<vmem>>) target(%dma_start3A_152 : memref<640xf32, #tpu.memory_space<vmem_shared>>) target_semaphore(%run_scoped3A_150 : memref<!tpu.dma_semaphore, #tpu.memory_space<semaphore_mem>>)
        %dma_wait3A_153 = tpu.memref_slice %arg6[%mul3A_17] : memref<10240xf32, #tpu.memory_space<vmem_shared>> -> memref<640xf32, #tpu.memory_space<vmem_shared>>
        %dma_wait3A_154 = tpu.memref_slice %arg6[%mul3A_17] : memref<10240xf32, #tpu.memory_space<vmem_shared>> -> memref<640xf32, #tpu.memory_space<vmem_shared>>
        tpu.wait_dma2 semaphore(%run_scoped3A_150 : memref<!tpu.dma_semaphore, #tpu.memory_space<semaphore_mem>>) src(%arg16 : memref<640xf32, #tpu.memory_space<vmem>>) dst(%dma_wait3A_154 : memref<640xf32, #tpu.memory_space<vmem_shared>>)
        tpu.yield
      }) : () -> ()
      %barrier3A_124 = arith.constant 0 : index
      tpu.barrier barrier_id(%barrier3A_124)
      %scan3A_125 = arith.constant 0 : i32
      %scan3A_126 = arith.constant 0 : i32
      %scan3A_127 = arith.constant 8 : i32
      %scan3A_128 = arith.addi %scan3A_126, %scan3A_127 : i32
      %scan3A_129 = arith.constant 1 : i32
      scf.for %scan3A_150 = %scan3A_126 to %scan3A_128 step %scan3A_129  : i32 {
        %add3A = arith.constant 0 : i32
        %add3A_151 = arith.addi %add3A, %scan3A_150 : i32
        %dma_start3A_152 = arith.constant 0 : i32
        %dma_start3A_153 = tpu.memref_slice %arg14[%add3A_151, %dma_start3A_152] : memref<80x128xf32, #tpu.memory_space<vmem>> -> memref<1x128xf32, #tpu.memory_space<vmem>>
        %dma_start3A_154 = tpu.memref_squeeze %dma_start3A_153 : memref<1x128xf32, #tpu.memory_space<vmem>> -> memref<128xf32, #tpu.memory_space<vmem>>
        %dma_start3A_155 = arith.constant 0 : i32
        %dma_start3A_156 = tpu.memref_slice %arg11[%add3A_151, %dma_start3A_155] : memref<80x128xi32, #tpu.memory_space<vmem>> -> memref<1x128xi32, #tpu.memory_space<vmem>>
        %dma_start3A_157 = tpu.memref_squeeze %dma_start3A_156 : memref<1x128xi32, #tpu.memory_space<vmem>> -> memref<128xi32, #tpu.memory_space<vmem>>
        %dma_start3A_158 = arith.constant 0 : i32
        %dma_start3A_159 = tpu.memref_slice %arg5[%dma_start3A_158] : memref<10240xf32, #tpu.memory_space<vmem_shared>> -> memref<10240xf32, #tpu.memory_space<vmem_shared>>
        tpu.enqueue_indirect_dma source(%dma_start3A_159 : memref<10240xf32, #tpu.memory_space<vmem_shared>>) target(%dma_start3A_154 : memref<128xf32, #tpu.memory_space<vmem>>) offsets(%dma_start3A_157 : memref<128xi32, #tpu.memory_space<vmem>>) semaphore(%arg22 : memref<!tpu.dma_semaphore, #tpu.memory_space<semaphore_mem>>)
      }
      %scan3A_130 = arith.constant 8 : i32
      %scan3A_131 = arith.constant 0 : i32
      %scan3A_132 = arith.constant 0 : i32
      %scan3A_133 = arith.constant 10 : i32
      %scan3A_134 = arith.addi %scan3A_132, %scan3A_133 : i32
      %scan3A_135 = arith.constant 1 : i32
      scf.for %scan3A_150 = %scan3A_132 to %scan3A_134 step %scan3A_135  : i32 {
        %scan3A_151 = arith.constant 0 : i32
        %scan3A_152 = arith.constant 0 : i32
        %scan3A_153 = arith.constant 8 : i32
        %scan3A_154 = arith.addi %scan3A_152, %scan3A_153 : i32
        %scan3A_155 = arith.constant 1 : i32
        scf.for %scan3A_172 = %scan3A_152 to %scan3A_154 step %scan3A_155  : i32 {
          %mul3A_173 = arith.constant 8 : i32
          %mul3A_174 = arith.muli %scan3A_150, %mul3A_173 : i32
          %add3A_175 = arith.addi %mul3A_174, %scan3A_172 : i32
          %dma_wait3A_176 = arith.constant 0 : i32
          %dma_wait3A_177 = tpu.memref_slice %arg14[%add3A_175, %dma_wait3A_176] : memref<80x128xf32, #tpu.memory_space<vmem>> -> memref<1x128xf32, #tpu.memory_space<vmem>>
          %dma_wait3A_178 = tpu.memref_squeeze %dma_wait3A_177 : memref<1x128xf32, #tpu.memory_space<vmem>> -> memref<128xf32, #tpu.memory_space<vmem>>
          %dma_wait3A_179 = arith.constant 0 : i32
          %dma_wait3A_180 = tpu.memref_slice %arg11[%add3A_175, %dma_wait3A_179] : memref<80x128xi32, #tpu.memory_space<vmem>> -> memref<1x128xi32, #tpu.memory_space<vmem>>
          %dma_wait3A_181 = tpu.memref_squeeze %dma_wait3A_180 : memref<1x128xi32, #tpu.memory_space<vmem>> -> memref<128xi32, #tpu.memory_space<vmem>>
          %dma_wait3A_182 = arith.constant 0 : i32
          %dma_wait3A_183 = tpu.memref_slice %arg5[%dma_wait3A_182] : memref<10240xf32, #tpu.memory_space<vmem_shared>> -> memref<10240xf32, #tpu.memory_space<vmem_shared>>
          tpu.wait_indirect_dma semaphore(%arg22 : memref<!tpu.dma_semaphore, #tpu.memory_space<semaphore_mem>>) src(%dma_wait3A_183 : memref<10240xf32, #tpu.memory_space<vmem_shared>>) dst(%dma_wait3A_178 : memref<128xf32, #tpu.memory_space<vmem>>)
        }
        %scan3A_156 = arith.constant 8 : i32
        %add3A = arith.constant 1 : i32
        %add3A_157 = arith.addi %scan3A_150, %add3A : i32
        %lt3A = arith.constant 10 : i32
        %lt3A_158 = arith.cmpi slt, %add3A_157, %lt3A : i32
        %convert_element_type3A_159 = arith.extui %lt3A_158 : i1 to i32
        %cond3A_160 = arith.constant 0 : i32
        %cond3A_161 = arith.cmpi ne, %convert_element_type3A_159, %cond3A_160 : i32
        scf.if %cond3A_161 {
          %add3A_172 = arith.constant 1 : i32
          %add3A_173 = arith.addi %scan3A_150, %add3A_172 : i32
          %scan3A_174 = arith.constant 0 : i32
          %scan3A_175 = arith.constant 0 : i32
          %scan3A_176 = arith.constant 8 : i32
          %scan3A_177 = arith.addi %scan3A_175, %scan3A_176 : i32
          %scan3A_178 = arith.constant 1 : i32
          scf.for %scan3A_180 = %scan3A_175 to %scan3A_177 step %scan3A_178  : i32 {
            %mul3A_181 = arith.constant 8 : i32
            %mul3A_182 = arith.muli %add3A_173, %mul3A_181 : i32
            %add3A_183 = arith.addi %mul3A_182, %scan3A_180 : i32
            %dma_start3A_184 = arith.constant 0 : i32
            %dma_start3A_185 = tpu.memref_slice %arg14[%add3A_183, %dma_start3A_184] : memref<80x128xf32, #tpu.memory_space<vmem>> -> memref<1x128xf32, #tpu.memory_space<vmem>>
            %dma_start3A_186 = tpu.memref_squeeze %dma_start3A_185 : memref<1x128xf32, #tpu.memory_space<vmem>> -> memref<128xf32, #tpu.memory_space<vmem>>
            %dma_start3A_187 = arith.constant 0 : i32
            %dma_start3A_188 = tpu.memref_slice %arg11[%add3A_183, %dma_start3A_187] : memref<80x128xi32, #tpu.memory_space<vmem>> -> memref<1x128xi32, #tpu.memory_space<vmem>>
            %dma_start3A_189 = tpu.memref_squeeze %dma_start3A_188 : memref<1x128xi32, #tpu.memory_space<vmem>> -> memref<128xi32, #tpu.memory_space<vmem>>
            %dma_start3A_190 = arith.constant 0 : i32
            %dma_start3A_191 = tpu.memref_slice %arg5[%dma_start3A_190] : memref<10240xf32, #tpu.memory_space<vmem_shared>> -> memref<10240xf32, #tpu.memory_space<vmem_shared>>
            tpu.enqueue_indirect_dma source(%dma_start3A_191 : memref<10240xf32, #tpu.memory_space<vmem_shared>>) target(%dma_start3A_186 : memref<128xf32, #tpu.memory_space<vmem>>) offsets(%dma_start3A_189 : memref<128xi32, #tpu.memory_space<vmem>>) semaphore(%arg22 : memref<!tpu.dma_semaphore, #tpu.memory_space<semaphore_mem>>)
          }
          %scan3A_179 = arith.constant 8 : i32
        } else {
        }
        %gt3A = arith.constant 0 : i32
        %gt3A_162 = arith.cmpi sgt, %scan3A_150, %gt3A : i32
        %convert_element_type3A_163 = arith.extui %gt3A_162 : i1 to i32
        %cond3A_164 = arith.constant 0 : i32
        %cond3A_165 = arith.cmpi ne, %convert_element_type3A_163, %cond3A_164 : i32
        scf.if %cond3A_165 {
          %sub3A = arith.constant 1 : i32
          %sub3A_172 = arith.subi %scan3A_150, %sub3A : i32
          %scan3A_173 = arith.constant 0 : i32
          %scan3A_174 = arith.constant 0 : i32
          %scan3A_175 = arith.constant 8 : i32
          %scan3A_176 = arith.addi %scan3A_174, %scan3A_175 : i32
          %scan3A_177 = arith.constant 1 : i32
          scf.for %scan3A_179 = %scan3A_174 to %scan3A_176 step %scan3A_177  : i32 {
            %mul3A_180 = arith.constant 8 : i32
            %mul3A_181 = arith.muli %sub3A_172, %mul3A_180 : i32
            %add3A_182 = arith.addi %mul3A_181, %scan3A_179 : i32
            %dma_wait3A_183 = arith.constant 0 : i32
            %dma_wait3A_184 = tpu.memref_slice %arg14[%add3A_182, %dma_wait3A_183] : memref<80x128xf32, #tpu.memory_space<vmem>> -> memref<1x128xf32, #tpu.memory_space<vmem>>
            %dma_wait3A_185 = tpu.memref_squeeze %dma_wait3A_184 : memref<1x128xf32, #tpu.memory_space<vmem>> -> memref<128xf32, #tpu.memory_space<vmem>>
            %dma_wait3A_186 = arith.constant 0 : i32
            %dma_wait3A_187 = tpu.memref_slice %arg12[%add3A_182, %dma_wait3A_186] : memref<80x128xi32, #tpu.memory_space<vmem>> -> memref<1x128xi32, #tpu.memory_space<vmem>>
            %dma_wait3A_188 = tpu.memref_squeeze %dma_wait3A_187 : memref<1x128xi32, #tpu.memory_space<vmem>> -> memref<128xi32, #tpu.memory_space<vmem>>
            %dma_wait3A_189 = arith.constant 0 : i32
            %dma_wait3A_190 = tpu.memref_slice %arg6[%dma_wait3A_189] : memref<10240xf32, #tpu.memory_space<vmem_shared>> -> memref<10240xf32, #tpu.memory_space<vmem_shared>>
            tpu.wait_indirect_dma semaphore(%arg23 : memref<!tpu.dma_semaphore, #tpu.memory_space<semaphore_mem>>) src(%dma_wait3A_185 : memref<128xf32, #tpu.memory_space<vmem>>) dst(%dma_wait3A_190 : memref<10240xf32, #tpu.memory_space<vmem_shared>>)
          }
          %scan3A_178 = arith.constant 8 : i32
        } else {
        }
        %scan3A_166 = arith.constant 0 : i32
        %scan3A_167 = arith.constant 0 : i32
        %scan3A_168 = arith.constant 8 : i32
        %scan3A_169 = arith.addi %scan3A_167, %scan3A_168 : i32
        %scan3A_170 = arith.constant 1 : i32
        scf.for %scan3A_172 = %scan3A_167 to %scan3A_169 step %scan3A_170  : i32 {
          %mul3A_173 = arith.constant 8 : i32
          %mul3A_174 = arith.muli %scan3A_150, %mul3A_173 : i32
          %add3A_175 = arith.addi %mul3A_174, %scan3A_172 : i32
          %dma_start3A_176 = arith.constant 0 : i32
          %dma_start3A_177 = tpu.memref_slice %arg14[%add3A_175, %dma_start3A_176] : memref<80x128xf32, #tpu.memory_space<vmem>> -> memref<1x128xf32, #tpu.memory_space<vmem>>
          %dma_start3A_178 = tpu.memref_squeeze %dma_start3A_177 : memref<1x128xf32, #tpu.memory_space<vmem>> -> memref<128xf32, #tpu.memory_space<vmem>>
          %dma_start3A_179 = arith.constant 0 : i32
          %dma_start3A_180 = tpu.memref_slice %arg12[%add3A_175, %dma_start3A_179] : memref<80x128xi32, #tpu.memory_space<vmem>> -> memref<1x128xi32, #tpu.memory_space<vmem>>
          %dma_start3A_181 = tpu.memref_squeeze %dma_start3A_180 : memref<1x128xi32, #tpu.memory_space<vmem>> -> memref<128xi32, #tpu.memory_space<vmem>>
          %dma_start3A_182 = arith.constant 0 : i32
          %dma_start3A_183 = tpu.memref_slice %arg6[%dma_start3A_182] : memref<10240xf32, #tpu.memory_space<vmem_shared>> -> memref<10240xf32, #tpu.memory_space<vmem_shared>>
          tpu.enqueue_indirect_dma source(%dma_start3A_178 : memref<128xf32, #tpu.memory_space<vmem>>) target(%dma_start3A_183 : memref<10240xf32, #tpu.memory_space<vmem_shared>>) offsets(%dma_start3A_181 : memref<128xi32, #tpu.memory_space<vmem>>) semaphore(%arg23 : memref<!tpu.dma_semaphore, #tpu.memory_space<semaphore_mem>>) {add = true}
        }
        %scan3A_171 = arith.constant 8 : i32
      }
      %scan3A_136 = arith.constant 10 : i32
      %scan3A_137 = arith.constant 0 : i32
      %scan3A_138 = arith.constant 0 : i32
      %scan3A_139 = arith.constant 8 : i32
      %scan3A_140 = arith.addi %scan3A_138, %scan3A_139 : i32
      %scan3A_141 = arith.constant 1 : i32
      scf.for %scan3A_150 = %scan3A_138 to %scan3A_140 step %scan3A_141  : i32 {
        %add3A = arith.constant 72 : i32
        %add3A_151 = arith.addi %add3A, %scan3A_150 : i32
        %dma_wait3A_152 = arith.constant 0 : i32
        %dma_wait3A_153 = tpu.memref_slice %arg14[%add3A_151, %dma_wait3A_152] : memref<80x128xf32, #tpu.memory_space<vmem>> -> memref<1x128xf32, #tpu.memory_space<vmem>>
        %dma_wait3A_154 = tpu.memref_squeeze %dma_wait3A_153 : memref<1x128xf32, #tpu.memory_space<vmem>> -> memref<128xf32, #tpu.memory_space<vmem>>
        %dma_wait3A_155 = arith.constant 0 : i32
        %dma_wait3A_156 = tpu.memref_slice %arg12[%add3A_151, %dma_wait3A_155] : memref<80x128xi32, #tpu.memory_space<vmem>> -> memref<1x128xi32, #tpu.memory_space<vmem>>
        %dma_wait3A_157 = tpu.memref_squeeze %dma_wait3A_156 : memref<1x128xi32, #tpu.memory_space<vmem>> -> memref<128xi32, #tpu.memory_space<vmem>>
        %dma_wait3A_158 = arith.constant 0 : i32
        %dma_wait3A_159 = tpu.memref_slice %arg6[%dma_wait3A_158] : memref<10240xf32, #tpu.memory_space<vmem_shared>> -> memref<10240xf32, #tpu.memory_space<vmem_shared>>
        tpu.wait_indirect_dma semaphore(%arg23 : memref<!tpu.dma_semaphore, #tpu.memory_space<semaphore_mem>>) src(%dma_wait3A_154 : memref<128xf32, #tpu.memory_space<vmem>>) dst(%dma_wait3A_159 : memref<10240xf32, #tpu.memory_space<vmem_shared>>)
      }
      %scan3A_142 = arith.constant 8 : i32
      %barrier3A_143 = arith.constant 0 : index
      tpu.barrier barrier_id(%barrier3A_143)
      "tpu.region"() ({
        %run_scoped3A_150 = tpu.sem_alloc : memref<!tpu.dma_semaphore, #tpu.memory_space<semaphore_mem>>
        %dma_start3A_151 = tpu.memref_slice %arg6[%mul3A_17] : memref<10240xf32, #tpu.memory_space<vmem_shared>> -> memref<640xf32, #tpu.memory_space<vmem_shared>>
        %dma_start3A_152 = tpu.memref_slice %arg6[%mul3A_17] : memref<10240xf32, #tpu.memory_space<vmem_shared>> -> memref<640xf32, #tpu.memory_space<vmem_shared>>
        tpu.enqueue_dma source(%dma_start3A_152 : memref<640xf32, #tpu.memory_space<vmem_shared>>) target(%arg17 : memref<640xf32, #tpu.memory_space<vmem>>) target_semaphore(%run_scoped3A_150 : memref<!tpu.dma_semaphore, #tpu.memory_space<semaphore_mem>>)
        %dma_wait3A_153 = tpu.memref_slice %arg6[%mul3A_17] : memref<10240xf32, #tpu.memory_space<vmem_shared>> -> memref<640xf32, #tpu.memory_space<vmem_shared>>
        %dma_wait3A_154 = tpu.memref_slice %arg6[%mul3A_17] : memref<10240xf32, #tpu.memory_space<vmem_shared>> -> memref<640xf32, #tpu.memory_space<vmem_shared>>
        tpu.wait_dma2 semaphore(%run_scoped3A_150 : memref<!tpu.dma_semaphore, #tpu.memory_space<semaphore_mem>>) src(%dma_wait3A_154 : memref<640xf32, #tpu.memory_space<vmem_shared>>) dst(%arg17 : memref<640xf32, #tpu.memory_space<vmem>>)
        tpu.yield
      }) : () -> ()
      %scan3A_144 = arith.constant 0 : i32
      %scan3A_145 = arith.constant 0 : i32
      %scan3A_146 = arith.constant 40 : i32
      %scan3A_147 = arith.addi %scan3A_145, %scan3A_146 : i32
      %scan3A_148 = arith.constant 1 : i32
      scf.for %scan3A_150 = %scan3A_145 to %scan3A_147 step %scan3A_148  : i32 {
        %mul3A_151 = arith.constant 16 : i32
        %mul3A_152 = arith.muli %scan3A_150, %mul3A_151 : i32
        %get3A = arith.index_cast %mul3A_152 : i32 to index
        %get3A_153 = tpu.vector_load %arg18[%get3A] {strides = array<i32>} : memref<640xf32, #tpu.memory_space<vmem>>, vector<16xf32>,
        %get3A_154 = vector.shape_cast %get3A_153 : vector<16xf32> to vector<16xf32>
        %get3A_155 = arith.index_cast %mul3A_152 : i32 to index
        %get3A_156 = tpu.vector_load %arg17[%get3A_155] {strides = array<i32>} : memref<640xf32, #tpu.memory_space<vmem>>, vector<16xf32>,
        %get3A_157 = vector.shape_cast %get3A_156 : vector<16xf32> to vector<16xf32>
        %mul3A_158 = arith.mulf %get3A_154, %get3A_157 : vector<16xf32>
        %swap3A = arith.index_cast %mul3A_152 : i32 to index
        %swap3A_159 = tpu.vector_load %arg21[%swap3A] {strides = array<i32>} : memref<640xf32, #tpu.memory_space<vmem>>, vector<16xf32>,
        %swap3A_160 = vector.shape_cast %swap3A_159 : vector<16xf32> to vector<16xf32>
        %swap3A_161 = vector.shape_cast %mul3A_158 : vector<16xf32> to vector<16xf32>
        tpu.vector_store %arg21[%swap3A], %swap3A_161 {strides = array<i32>} : memref<640xf32, #tpu.memory_space<vmem>>, vector<16xf32>,
      }
      %scan3A_149 = arith.constant 40 : i32
    } else {
    }
    %convert_element_type3A_103 = arith.extui %eq3A_0 : i1 to i32
    %cond3A_104 = arith.constant 0 : i32
    %cond3A_105 = arith.cmpi ne, %convert_element_type3A_103, %cond3A_104 : i32
    scf.if %cond3A_105 {
      %scan3A_124 = arith.constant 0 : i32
      %scan3A_125 = arith.constant 0 : i32
      %scan3A_126 = arith.constant 5 : i32
      %scan3A_127 = arith.addi %scan3A_125, %scan3A_126 : i32
      %scan3A_128 = arith.constant 1 : i32
      scf.for %scan3A_130 = %scan3A_125 to %scan3A_127 step %scan3A_128  : i32 {
        %mul3A_131 = arith.constant 128 : i32
        %mul3A_132 = arith.muli %scan3A_130, %mul3A_131 : i32
        %multiple_of3A = tpu.assume_multiple %mul3A_132, 128 : i32
        "tpu.region"() ({
          %run_scoped3A_133 = tpu.sem_alloc : memref<!tpu.dma_semaphore, #tpu.memory_space<semaphore_mem>>
          %dma_start3A_134 = tpu.memref_slice %arg21[%multiple_of3A] : memref<640xf32, #tpu.memory_space<vmem>> -> memref<128xf32, #tpu.memory_space<vmem>>
          %dma_start3A_135 = arith.constant 0 : i32
          %dma_start3A_136 = tpu.memref_slice %arg13[%scan3A_130, %dma_start3A_135] : memref<5x128xi32, #tpu.memory_space<vmem>> -> memref<1x128xi32, #tpu.memory_space<vmem>>
          %dma_start3A_137 = tpu.memref_squeeze %dma_start3A_136 : memref<1x128xi32, #tpu.memory_space<vmem>> -> memref<128xi32, #tpu.memory_space<vmem>>
          %dma_start3A_138 = arith.constant 0 : i32
          %dma_start3A_139 = tpu.memref_slice %arg7[%dma_start3A_138] : memref<136xf32, #tpu.memory_space<vmem_shared>> -> memref<136xf32, #tpu.memory_space<vmem_shared>>
          tpu.enqueue_indirect_dma source(%dma_start3A_134 : memref<128xf32, #tpu.memory_space<vmem>>) target(%dma_start3A_139 : memref<136xf32, #tpu.memory_space<vmem_shared>>) offsets(%dma_start3A_137 : memref<128xi32, #tpu.memory_space<vmem>>) semaphore(%run_scoped3A_133 : memref<!tpu.dma_semaphore, #tpu.memory_space<semaphore_mem>>) {add = true}
          %dma_wait3A_140 = tpu.memref_slice %arg21[%multiple_of3A] : memref<640xf32, #tpu.memory_space<vmem>> -> memref<128xf32, #tpu.memory_space<vmem>>
          %dma_wait3A_141 = arith.constant 0 : i32
          %dma_wait3A_142 = tpu.memref_slice %arg13[%scan3A_130, %dma_wait3A_141] : memref<5x128xi32, #tpu.memory_space<vmem>> -> memref<1x128xi32, #tpu.memory_space<vmem>>
          %dma_wait3A_143 = tpu.memref_squeeze %dma_wait3A_142 : memref<1x128xi32, #tpu.memory_space<vmem>> -> memref<128xi32, #tpu.memory_space<vmem>>
          %dma_wait3A_144 = arith.constant 0 : i32
          %dma_wait3A_145 = tpu.memref_slice %arg7[%dma_wait3A_144] : memref<136xf32, #tpu.memory_space<vmem_shared>> -> memref<136xf32, #tpu.memory_space<vmem_shared>>
          tpu.wait_indirect_dma semaphore(%run_scoped3A_133 : memref<!tpu.dma_semaphore, #tpu.memory_space<semaphore_mem>>) src(%dma_wait3A_140 : memref<128xf32, #tpu.memory_space<vmem>>) dst(%dma_wait3A_145 : memref<136xf32, #tpu.memory_space<vmem_shared>>)
          tpu.yield
        }) : () -> ()
      }
      %scan3A_129 = arith.constant 5 : i32
    } else {
    }
    %not3A = arith.constant true
    %not3A_106 = arith.xori %eq3A_0, %not3A : i1
    %convert_element_type3A_107 = arith.extui %not3A_106 : i1 to i32
    %cond3A_108 = arith.constant 0 : i32
    %cond3A_109 = arith.cmpi ne, %convert_element_type3A_107, %cond3A_108 : i32
    scf.if %cond3A_109 {
      %scan3A_124 = arith.constant 0 : i32
      %scan3A_125 = arith.constant 0 : i32
      %scan3A_126 = arith.constant 5 : i32
      %scan3A_127 = arith.addi %scan3A_125, %scan3A_126 : i32
      %scan3A_128 = arith.constant 1 : i32
      scf.for %scan3A_142 = %scan3A_125 to %scan3A_127 step %scan3A_128  : i32 {
        %mul3A_143 = arith.constant 128 : i32
        %mul3A_144 = arith.muli %scan3A_142, %mul3A_143 : i32
        %multiple_of3A = tpu.assume_multiple %mul3A_144, 128 : i32
        "tpu.region"() ({
          %run_scoped3A_145 = tpu.sem_alloc : memref<!tpu.dma_semaphore, #tpu.memory_space<semaphore_mem>>
          %dma_start3A_146 = tpu.memref_slice %arg21[%multiple_of3A] : memref<640xf32, #tpu.memory_space<vmem>> -> memref<128xf32, #tpu.memory_space<vmem>>
          %dma_start3A_147 = arith.constant 0 : i32
          %dma_start3A_148 = tpu.memref_slice %arg13[%scan3A_142, %dma_start3A_147] : memref<5x128xi32, #tpu.memory_space<vmem>> -> memref<1x128xi32, #tpu.memory_space<vmem>>
          %dma_start3A_149 = tpu.memref_squeeze %dma_start3A_148 : memref<1x128xi32, #tpu.memory_space<vmem>> -> memref<128xi32, #tpu.memory_space<vmem>>
          %dma_start3A_150 = arith.constant 0 : i32
          %dma_start3A_151 = tpu.memref_slice %arg8[%dma_start3A_150] : memref<136xf32, #tpu.memory_space<vmem_shared>> -> memref<136xf32, #tpu.memory_space<vmem_shared>>
          tpu.enqueue_indirect_dma source(%dma_start3A_146 : memref<128xf32, #tpu.memory_space<vmem>>) target(%dma_start3A_151 : memref<136xf32, #tpu.memory_space<vmem_shared>>) offsets(%dma_start3A_149 : memref<128xi32, #tpu.memory_space<vmem>>) semaphore(%run_scoped3A_145 : memref<!tpu.dma_semaphore, #tpu.memory_space<semaphore_mem>>) {add = true}
          %dma_wait3A_152 = tpu.memref_slice %arg21[%multiple_of3A] : memref<640xf32, #tpu.memory_space<vmem>> -> memref<128xf32, #tpu.memory_space<vmem>>
          %dma_wait3A_153 = arith.constant 0 : i32
          %dma_wait3A_154 = tpu.memref_slice %arg13[%scan3A_142, %dma_wait3A_153] : memref<5x128xi32, #tpu.memory_space<vmem>> -> memref<1x128xi32, #tpu.memory_space<vmem>>
          %dma_wait3A_155 = tpu.memref_squeeze %dma_wait3A_154 : memref<1x128xi32, #tpu.memory_space<vmem>> -> memref<128xi32, #tpu.memory_space<vmem>>
          %dma_wait3A_156 = arith.constant 0 : i32
          %dma_wait3A_157 = tpu.memref_slice %arg8[%dma_wait3A_156] : memref<136xf32, #tpu.memory_space<vmem_shared>> -> memref<136xf32, #tpu.memory_space<vmem_shared>>
          tpu.wait_indirect_dma semaphore(%run_scoped3A_145 : memref<!tpu.dma_semaphore, #tpu.memory_space<semaphore_mem>>) src(%dma_wait3A_152 : memref<128xf32, #tpu.memory_space<vmem>>) dst(%dma_wait3A_157 : memref<136xf32, #tpu.memory_space<vmem_shared>>)
          tpu.yield
        }) : () -> ()
      }
      %scan3A_129 = arith.constant 5 : i32
      %scan3A_130 = arith.constant 0 : i32
      %scan3A_131 = arith.constant 0 : i32
      %scan3A_132 = arith.constant 5 : i32
      %scan3A_133 = arith.addi %scan3A_131, %scan3A_132 : i32
      %scan3A_134 = arith.constant 1 : i32
      scf.for %scan3A_142 = %scan3A_131 to %scan3A_133 step %scan3A_134  : i32 {
        %mul3A_143 = arith.constant 128 : i32
        %mul3A_144 = arith.muli %scan3A_142, %mul3A_143 : i32
        %multiple_of3A = tpu.assume_multiple %mul3A_144, 128 : i32
        "tpu.region"() ({
          %run_scoped3A_145 = tpu.sem_alloc : memref<!tpu.dma_semaphore, #tpu.memory_space<semaphore_mem>>
          %dma_start3A_146 = tpu.memref_slice %arg20[%multiple_of3A] : memref<640xf32, #tpu.memory_space<vmem>> -> memref<128xf32, #tpu.memory_space<vmem>>
          %dma_start3A_147 = arith.constant 0 : i32
          %dma_start3A_148 = tpu.memref_slice %arg13[%scan3A_142, %dma_start3A_147] : memref<5x128xi32, #tpu.memory_space<vmem>> -> memref<1x128xi32, #tpu.memory_space<vmem>>
          %dma_start3A_149 = tpu.memref_squeeze %dma_start3A_148 : memref<1x128xi32, #tpu.memory_space<vmem>> -> memref<128xi32, #tpu.memory_space<vmem>>
          %dma_start3A_150 = arith.constant 0 : i32
          %dma_start3A_151 = tpu.memref_slice %arg9[%dma_start3A_150] : memref<136xf32, #tpu.memory_space<vmem_shared>> -> memref<136xf32, #tpu.memory_space<vmem_shared>>
          tpu.enqueue_indirect_dma source(%dma_start3A_146 : memref<128xf32, #tpu.memory_space<vmem>>) target(%dma_start3A_151 : memref<136xf32, #tpu.memory_space<vmem_shared>>) offsets(%dma_start3A_149 : memref<128xi32, #tpu.memory_space<vmem>>) semaphore(%run_scoped3A_145 : memref<!tpu.dma_semaphore, #tpu.memory_space<semaphore_mem>>) {add = true}
          %dma_wait3A_152 = tpu.memref_slice %arg20[%multiple_of3A] : memref<640xf32, #tpu.memory_space<vmem>> -> memref<128xf32, #tpu.memory_space<vmem>>
          %dma_wait3A_153 = arith.constant 0 : i32
          %dma_wait3A_154 = tpu.memref_slice %arg13[%scan3A_142, %dma_wait3A_153] : memref<5x128xi32, #tpu.memory_space<vmem>> -> memref<1x128xi32, #tpu.memory_space<vmem>>
          %dma_wait3A_155 = tpu.memref_squeeze %dma_wait3A_154 : memref<1x128xi32, #tpu.memory_space<vmem>> -> memref<128xi32, #tpu.memory_space<vmem>>
          %dma_wait3A_156 = arith.constant 0 : i32
          %dma_wait3A_157 = tpu.memref_slice %arg9[%dma_wait3A_156] : memref<136xf32, #tpu.memory_space<vmem_shared>> -> memref<136xf32, #tpu.memory_space<vmem_shared>>
          tpu.wait_indirect_dma semaphore(%run_scoped3A_145 : memref<!tpu.dma_semaphore, #tpu.memory_space<semaphore_mem>>) src(%dma_wait3A_152 : memref<128xf32, #tpu.memory_space<vmem>>) dst(%dma_wait3A_157 : memref<136xf32, #tpu.memory_space<vmem_shared>>)
          tpu.yield
        }) : () -> ()
      }
      %scan3A_135 = arith.constant 5 : i32
      %scan3A_136 = arith.constant 0 : i32
      %scan3A_137 = arith.constant 0 : i32
      %scan3A_138 = arith.constant 5 : i32
      %scan3A_139 = arith.addi %scan3A_137, %scan3A_138 : i32
      %scan3A_140 = arith.constant 1 : i32
      scf.for %scan3A_142 = %scan3A_137 to %scan3A_139 step %scan3A_140  : i32 {
        "tpu.region"() ({
          %run_scoped3A_143 = tpu.sem_alloc : memref<!tpu.dma_semaphore, #tpu.memory_space<semaphore_mem>>
          %dma_start3A_144 = arith.constant 0 : i32
          %dma_start3A_145 = tpu.memref_slice %arg15[%dma_start3A_144] : memref<128xf32, #tpu.memory_space<vmem>> -> memref<128xf32, #tpu.memory_space<vmem>>
          %dma_start3A_146 = arith.constant 0 : i32
          %dma_start3A_147 = tpu.memref_slice %arg13[%scan3A_142, %dma_start3A_146] : memref<5x128xi32, #tpu.memory_space<vmem>> -> memref<1x128xi32, #tpu.memory_space<vmem>>
          %dma_start3A_148 = tpu.memref_squeeze %dma_start3A_147 : memref<1x128xi32, #tpu.memory_space<vmem>> -> memref<128xi32, #tpu.memory_space<vmem>>
          %dma_start3A_149 = arith.constant 0 : i32
          %dma_start3A_150 = tpu.memref_slice %arg10[%dma_start3A_149] : memref<136xf32, #tpu.memory_space<vmem_shared>> -> memref<136xf32, #tpu.memory_space<vmem_shared>>
          tpu.enqueue_indirect_dma source(%dma_start3A_145 : memref<128xf32, #tpu.memory_space<vmem>>) target(%dma_start3A_150 : memref<136xf32, #tpu.memory_space<vmem_shared>>) offsets(%dma_start3A_148 : memref<128xi32, #tpu.memory_space<vmem>>) semaphore(%run_scoped3A_143 : memref<!tpu.dma_semaphore, #tpu.memory_space<semaphore_mem>>) {add = true}
          %dma_wait3A_151 = arith.constant 0 : i32
          %dma_wait3A_152 = tpu.memref_slice %arg15[%dma_wait3A_151] : memref<128xf32, #tpu.memory_space<vmem>> -> memref<128xf32, #tpu.memory_space<vmem>>
          %dma_wait3A_153 = arith.constant 0 : i32
          %dma_wait3A_154 = tpu.memref_slice %arg13[%scan3A_142, %dma_wait3A_153] : memref<5x128xi32, #tpu.memory_space<vmem>> -> memref<1x128xi32, #tpu.memory_space<vmem>>
          %dma_wait3A_155 = tpu.memref_squeeze %dma_wait3A_154 : memref<1x128xi32, #tpu.memory_space<vmem>> -> memref<128xi32, #tpu.memory_space<vmem>>
          %dma_wait3A_156 = arith.constant 0 : i32
          %dma_wait3A_157 = tpu.memref_slice %arg10[%dma_wait3A_156] : memref<136xf32, #tpu.memory_space<vmem_shared>> -> memref<136xf32, #tpu.memory_space<vmem_shared>>
          tpu.wait_indirect_dma semaphore(%run_scoped3A_143 : memref<!tpu.dma_semaphore, #tpu.memory_space<semaphore_mem>>) src(%dma_wait3A_152 : memref<128xf32, #tpu.memory_space<vmem>>) dst(%dma_wait3A_157 : memref<136xf32, #tpu.memory_space<vmem_shared>>)
          tpu.yield
        }) : () -> ()
      }
      %scan3A_141 = arith.constant 5 : i32
    } else {
    }
    %barrier3A_110 = arith.constant 0 : index
    tpu.barrier barrier_id(%barrier3A_110)
    %eq3A_111 = arith.constant 0 : i32
    %eq3A_112 = arith.cmpi eq, %arg1, %eq3A_111 : i32
    %and3A = arith.andi %eq3A_0, %eq3A_112 : i1
    %convert_element_type3A_113 = arith.extui %and3A : i1 to i32
    %cond3A_114 = arith.constant 0 : i32
    %cond3A_115 = arith.cmpi ne, %convert_element_type3A_113, %cond3A_114 : i32
    scf.if %cond3A_115 {
      %run_scoped3A_124 = arith.constant 0 : i32
      "tpu.region"() ({
        %run_scoped3A_125 = tpu.sem_alloc : memref<!tpu.dma_semaphore, #tpu.memory_space<semaphore_mem>>
        %dma_start3A_126 = arith.constant 0 : i32
        %dma_start3A_127 = tpu.memref_slice %arg4[%run_scoped3A_124, %dma_start3A_126] : memref<4x128xf32, #tpu.memory_space<hbm>> -> memref<1x128xf32, #tpu.memory_space<hbm>>
        %dma_start3A_128 = tpu.memref_squeeze %dma_start3A_127 : memref<1x128xf32, #tpu.memory_space<hbm>> -> memref<128xf32, #tpu.memory_space<hbm>>
        %dma_start3A_129 = arith.constant 0 : i32
        %dma_start3A_130 = tpu.memref_slice %arg7[%dma_start3A_129] : memref<136xf32, #tpu.memory_space<vmem_shared>> -> memref<128xf32, #tpu.memory_space<vmem_shared>>
        tpu.enqueue_dma source(%dma_start3A_130 : memref<128xf32, #tpu.memory_space<vmem_shared>>) target(%dma_start3A_128 : memref<128xf32, #tpu.memory_space<hbm>>) target_semaphore(%run_scoped3A_125 : memref<!tpu.dma_semaphore, #tpu.memory_space<semaphore_mem>>)
        %dma_wait3A_131 = arith.constant 0 : i32
        %dma_wait3A_132 = tpu.memref_slice %arg4[%run_scoped3A_124, %dma_wait3A_131] : memref<4x128xf32, #tpu.memory_space<hbm>> -> memref<1x128xf32, #tpu.memory_space<hbm>>
        %dma_wait3A_133 = tpu.memref_squeeze %dma_wait3A_132 : memref<1x128xf32, #tpu.memory_space<hbm>> -> memref<128xf32, #tpu.memory_space<hbm>>
        %dma_wait3A_134 = arith.constant 0 : i32
        %dma_wait3A_135 = tpu.memref_slice %arg7[%dma_wait3A_134] : memref<136xf32, #tpu.memory_space<vmem_shared>> -> memref<128xf32, #tpu.memory_space<vmem_shared>>
        tpu.wait_dma2 semaphore(%run_scoped3A_125 : memref<!tpu.dma_semaphore, #tpu.memory_space<semaphore_mem>>) src(%dma_wait3A_135 : memref<128xf32, #tpu.memory_space<vmem_shared>>) dst(%dma_wait3A_133 : memref<128xf32, #tpu.memory_space<hbm>>)
        tpu.yield
      }) : () -> ()
    } else {
    }
    %not3A_116 = arith.constant true
    %not3A_117 = arith.xori %eq3A_0, %not3A_116 : i1
    %eq3A_118 = arith.constant 0 : i32
    %eq3A_119 = arith.cmpi eq, %arg1, %eq3A_118 : i32
    %and3A_120 = arith.andi %not3A_117, %eq3A_119 : i1
    %convert_element_type3A_121 = arith.extui %and3A_120 : i1 to i32
    %cond3A_122 = arith.constant 0 : i32
    %cond3A_123 = arith.cmpi ne, %convert_element_type3A_121, %cond3A_122 : i32
    scf.if %cond3A_123 {
      %run_scoped3A_124 = arith.constant 1 : i32
      "tpu.region"() ({
        %run_scoped3A_127 = tpu.sem_alloc : memref<!tpu.dma_semaphore, #tpu.memory_space<semaphore_mem>>
        %dma_start3A_128 = arith.constant 0 : i32
        %dma_start3A_129 = tpu.memref_slice %arg4[%run_scoped3A_124, %dma_start3A_128] : memref<4x128xf32, #tpu.memory_space<hbm>> -> memref<1x128xf32, #tpu.memory_space<hbm>>
        %dma_start3A_130 = tpu.memref_squeeze %dma_start3A_129 : memref<1x128xf32, #tpu.memory_space<hbm>> -> memref<128xf32, #tpu.memory_space<hbm>>
        %dma_start3A_131 = arith.constant 0 : i32
        %dma_start3A_132 = tpu.memref_slice %arg8[%dma_start3A_131] : memref<136xf32, #tpu.memory_space<vmem_shared>> -> memref<128xf32, #tpu.memory_space<vmem_shared>>
        tpu.enqueue_dma source(%dma_start3A_132 : memref<128xf32, #tpu.memory_space<vmem_shared>>) target(%dma_start3A_130 : memref<128xf32, #tpu.memory_space<hbm>>) target_semaphore(%run_scoped3A_127 : memref<!tpu.dma_semaphore, #tpu.memory_space<semaphore_mem>>)
        %dma_wait3A_133 = arith.constant 0 : i32
        %dma_wait3A_134 = tpu.memref_slice %arg4[%run_scoped3A_124, %dma_wait3A_133] : memref<4x128xf32, #tpu.memory_space<hbm>> -> memref<1x128xf32, #tpu.memory_space<hbm>>
        %dma_wait3A_135 = tpu.memref_squeeze %dma_wait3A_134 : memref<1x128xf32, #tpu.memory_space<hbm>> -> memref<128xf32, #tpu.memory_space<hbm>>
        %dma_wait3A_136 = arith.constant 0 : i32
        %dma_wait3A_137 = tpu.memref_slice %arg8[%dma_wait3A_136] : memref<136xf32, #tpu.memory_space<vmem_shared>> -> memref<128xf32, #tpu.memory_space<vmem_shared>>
        tpu.wait_dma2 semaphore(%run_scoped3A_127 : memref<!tpu.dma_semaphore, #tpu.memory_space<semaphore_mem>>) src(%dma_wait3A_137 : memref<128xf32, #tpu.memory_space<vmem_shared>>) dst(%dma_wait3A_135 : memref<128xf32, #tpu.memory_space<hbm>>)
        tpu.yield
      }) : () -> ()
      %run_scoped3A_125 = arith.constant 2 : i32
      "tpu.region"() ({
        %run_scoped3A_127 = tpu.sem_alloc : memref<!tpu.dma_semaphore, #tpu.memory_space<semaphore_mem>>
        %dma_start3A_128 = arith.constant 0 : i32
        %dma_start3A_129 = tpu.memref_slice %arg4[%run_scoped3A_125, %dma_start3A_128] : memref<4x128xf32, #tpu.memory_space<hbm>> -> memref<1x128xf32, #tpu.memory_space<hbm>>
        %dma_start3A_130 = tpu.memref_squeeze %dma_start3A_129 : memref<1x128xf32, #tpu.memory_space<hbm>> -> memref<128xf32, #tpu.memory_space<hbm>>
        %dma_start3A_131 = arith.constant 0 : i32
        %dma_start3A_132 = tpu.memref_slice %arg9[%dma_start3A_131] : memref<136xf32, #tpu.memory_space<vmem_shared>> -> memref<128xf32, #tpu.memory_space<vmem_shared>>
        tpu.enqueue_dma source(%dma_start3A_132 : memref<128xf32, #tpu.memory_space<vmem_shared>>) target(%dma_start3A_130 : memref<128xf32, #tpu.memory_space<hbm>>) target_semaphore(%run_scoped3A_127 : memref<!tpu.dma_semaphore, #tpu.memory_space<semaphore_mem>>)
        %dma_wait3A_133 = arith.constant 0 : i32
        %dma_wait3A_134 = tpu.memref_slice %arg4[%run_scoped3A_125, %dma_wait3A_133] : memref<4x128xf32, #tpu.memory_space<hbm>> -> memref<1x128xf32, #tpu.memory_space<hbm>>
        %dma_wait3A_135 = tpu.memref_squeeze %dma_wait3A_134 : memref<1x128xf32, #tpu.memory_space<hbm>> -> memref<128xf32, #tpu.memory_space<hbm>>
        %dma_wait3A_136 = arith.constant 0 : i32
        %dma_wait3A_137 = tpu.memref_slice %arg9[%dma_wait3A_136] : memref<136xf32, #tpu.memory_space<vmem_shared>> -> memref<128xf32, #tpu.memory_space<vmem_shared>>
        tpu.wait_dma2 semaphore(%run_scoped3A_127 : memref<!tpu.dma_semaphore, #tpu.memory_space<semaphore_mem>>) src(%dma_wait3A_137 : memref<128xf32, #tpu.memory_space<vmem_shared>>) dst(%dma_wait3A_135 : memref<128xf32, #tpu.memory_space<hbm>>)
        tpu.yield
      }) : () -> ()
      %run_scoped3A_126 = arith.constant 3 : i32
      "tpu.region"() ({
        %run_scoped3A_127 = tpu.sem_alloc : memref<!tpu.dma_semaphore, #tpu.memory_space<semaphore_mem>>
        %dma_start3A_128 = arith.constant 0 : i32
        %dma_start3A_129 = tpu.memref_slice %arg4[%run_scoped3A_126, %dma_start3A_128] : memref<4x128xf32, #tpu.memory_space<hbm>> -> memref<1x128xf32, #tpu.memory_space<hbm>>
        %dma_start3A_130 = tpu.memref_squeeze %dma_start3A_129 : memref<1x128xf32, #tpu.memory_space<hbm>> -> memref<128xf32, #tpu.memory_space<hbm>>
        %dma_start3A_131 = arith.constant 0 : i32
        %dma_start3A_132 = tpu.memref_slice %arg10[%dma_start3A_131] : memref<136xf32, #tpu.memory_space<vmem_shared>> -> memref<128xf32, #tpu.memory_space<vmem_shared>>
        tpu.enqueue_dma source(%dma_start3A_132 : memref<128xf32, #tpu.memory_space<vmem_shared>>) target(%dma_start3A_130 : memref<128xf32, #tpu.memory_space<hbm>>) target_semaphore(%run_scoped3A_127 : memref<!tpu.dma_semaphore, #tpu.memory_space<semaphore_mem>>)
        %dma_wait3A_133 = arith.constant 0 : i32
        %dma_wait3A_134 = tpu.memref_slice %arg4[%run_scoped3A_126, %dma_wait3A_133] : memref<4x128xf32, #tpu.memory_space<hbm>> -> memref<1x128xf32, #tpu.memory_space<hbm>>
        %dma_wait3A_135 = tpu.memref_squeeze %dma_wait3A_134 : memref<1x128xf32, #tpu.memory_space<hbm>> -> memref<128xf32, #tpu.memory_space<hbm>>
        %dma_wait3A_136 = arith.constant 0 : i32
        %dma_wait3A_137 = tpu.memref_slice %arg10[%dma_wait3A_136] : memref<136xf32, #tpu.memory_space<vmem_shared>> -> memref<128xf32, #tpu.memory_space<vmem_shared>>
        tpu.wait_dma2 semaphore(%run_scoped3A_127 : memref<!tpu.dma_semaphore, #tpu.memory_space<semaphore_mem>>) src(%dma_wait3A_137 : memref<128xf32, #tpu.memory_space<vmem_shared>>) dst(%dma_wait3A_135 : memref<128xf32, #tpu.memory_space<hbm>>)
        tpu.yield
      }) : () -> ()
    } else {
    }
    return
  }
}

module attributes {stable_mosaic.version = 14 : i64} {
  func.func @_weights_body(%arg0: memref<1x256xf32, #tpu.memory_space<vmem>>, %arg1: memref<1x256xf32, #tpu.memory_space<vmem>>, %arg2: memref<256x256xf32, #tpu.memory_space<vmem>>, %arg3: memref<1x256xf32, #tpu.memory_space<vmem>>, %arg4: memref<256x256xf32, #tpu.memory_space<vmem>>, %arg5: memref<1x256xf32, #tpu.memory_space<vmem>>, %arg6: memref<256x10xf32, #tpu.memory_space<vmem>>, %arg7: memref<4x10xf32, #tpu.memory_space<vmem>>) attributes {dimension_semantics = [], scalar_prefetch = 0 : i64, scratch_operands = 0 : i64, tpu.core_type = #tpu.core_type<tc>} {
    %get3A = arith.constant 0 : index
    %get3A_0 = arith.constant 0 : index
    %get3A_1 = vector.load %arg2[%get3A, %get3A_0] : memref<256x256xf32, #tpu.memory_space<vmem>>, vector<256x256xf32>
    %get3A_2 = arith.constant 0 : index
    %get3A_3 = arith.constant 0 : index
    %get3A_4 = vector.load %arg4[%get3A_2, %get3A_3] : memref<256x256xf32, #tpu.memory_space<vmem>>, vector<256x256xf32>
    %get3A_5 = arith.constant 0 : index
    %get3A_6 = arith.constant 0 : index
    %get3A_7 = vector.load %arg6[%get3A_5, %get3A_6] : memref<256x10xf32, #tpu.memory_space<vmem>>, vector<256x10xf32>
    %get3A_8 = arith.constant 0 : index
    %get3A_9 = arith.constant 0 : index
    %get3A_10 = vector.load %arg0[%get3A_8, %get3A_9] : memref<1x256xf32, #tpu.memory_space<vmem>>, vector<1x256xf32>
    %dot_general3A = arith.constant dense<0.000000e+00> : vector<1x256xf32>
    %dot_general3A_11 = tpu.matmul %get3A_10, %get3A_1, %dot_general3A {dimension_numbers = #tpu.dot_dimension_numbers<[1], [0], [0], [1], [0, 0, 1, 1], [], []>, precision = #tpu.contract_precision<fp32>, transpose_lhs_hint = false} : vector<1x256xf32>, vector<256x256xf32>, vector<1x256xf32> -> vector<1x256xf32>
    %dot_general3A_12 = arith.constant dense<0.000000e+00> : vector<1x256xf32>
    %dot_general3A_13 = tpu.matmul %dot_general3A_11, %get3A_4, %dot_general3A_12 {dimension_numbers = #tpu.dot_dimension_numbers<[1], [0], [0], [1], [0, 0, 1, 1], [], []>, precision = #tpu.contract_precision<fp32>, transpose_lhs_hint = false} : vector<1x256xf32>, vector<256x256xf32>, vector<1x256xf32> -> vector<1x256xf32>
    %get3A_14 = arith.constant 0 : index
    %get3A_15 = arith.constant 0 : index
    %get3A_16 = vector.load %arg1[%get3A_14, %get3A_15] : memref<1x256xf32, #tpu.memory_space<vmem>>, vector<1x256xf32>
    %dot_general3A_17 = arith.constant dense<0.000000e+00> : vector<1x256xf32>
    %dot_general3A_18 = tpu.matmul %get3A_16, %get3A_1, %dot_general3A_17 {dimension_numbers = #tpu.dot_dimension_numbers<[1], [0], [0], [1], [0, 0, 1, 1], [], []>, precision = #tpu.contract_precision<fp32>, transpose_lhs_hint = false} : vector<1x256xf32>, vector<256x256xf32>, vector<1x256xf32> -> vector<1x256xf32>
    %dot_general3A_19 = arith.constant dense<0.000000e+00> : vector<1x256xf32>
    %dot_general3A_20 = tpu.matmul %dot_general3A_18, %get3A_4, %dot_general3A_19 {dimension_numbers = #tpu.dot_dimension_numbers<[1], [0], [0], [1], [0, 0, 1, 1], [], []>, precision = #tpu.contract_precision<fp32>, transpose_lhs_hint = false} : vector<1x256xf32>, vector<256x256xf32>, vector<1x256xf32> -> vector<1x256xf32>
    %get3A_21 = arith.constant 0 : index
    %get3A_22 = arith.constant 0 : index
    %get3A_23 = vector.load %arg3[%get3A_21, %get3A_22] : memref<1x256xf32, #tpu.memory_space<vmem>>, vector<1x256xf32>
    %dot_general3A_24 = arith.constant dense<0.000000e+00> : vector<1x256xf32>
    %dot_general3A_25 = tpu.matmul %get3A_23, %get3A_4, %dot_general3A_24 {dimension_numbers = #tpu.dot_dimension_numbers<[1], [0], [0], [1], [0, 0, 1, 1], [], []>, precision = #tpu.contract_precision<fp32>, transpose_lhs_hint = false} : vector<1x256xf32>, vector<256x256xf32>, vector<1x256xf32> -> vector<1x256xf32>
    %dot_general3A_26 = arith.constant dense<0.000000e+00> : vector<1x10xf32>
    %dot_general3A_27 = tpu.matmul %dot_general3A_13, %get3A_7, %dot_general3A_26 {dimension_numbers = #tpu.dot_dimension_numbers<[1], [0], [0], [1], [0, 0, 1, 1], [], []>, precision = #tpu.contract_precision<fp32>, transpose_lhs_hint = false} : vector<1x256xf32>, vector<256x10xf32>, vector<1x10xf32> -> vector<1x10xf32>
    %dot_general3A_28 = arith.constant dense<0.000000e+00> : vector<1x10xf32>
    %dot_general3A_29 = tpu.matmul %dot_general3A_20, %get3A_7, %dot_general3A_28 {dimension_numbers = #tpu.dot_dimension_numbers<[1], [0], [0], [1], [0, 0, 1, 1], [], []>, precision = #tpu.contract_precision<fp32>, transpose_lhs_hint = false} : vector<1x256xf32>, vector<256x10xf32>, vector<1x10xf32> -> vector<1x10xf32>
    %dot_general3A_30 = arith.constant dense<0.000000e+00> : vector<1x10xf32>
    %dot_general3A_31 = tpu.matmul %dot_general3A_25, %get3A_7, %dot_general3A_30 {dimension_numbers = #tpu.dot_dimension_numbers<[1], [0], [0], [1], [0, 0, 1, 1], [], []>, precision = #tpu.contract_precision<fp32>, transpose_lhs_hint = false} : vector<1x256xf32>, vector<256x10xf32>, vector<1x10xf32> -> vector<1x10xf32>
    %get3A_32 = arith.constant 0 : index
    %get3A_33 = arith.constant 0 : index
    %get3A_34 = vector.load %arg5[%get3A_32, %get3A_33] : memref<1x256xf32, #tpu.memory_space<vmem>>, vector<1x256xf32>
    %dot_general3A_35 = arith.constant dense<0.000000e+00> : vector<1x10xf32>
    %dot_general3A_36 = tpu.matmul %get3A_34, %get3A_7, %dot_general3A_35 {dimension_numbers = #tpu.dot_dimension_numbers<[1], [0], [0], [1], [0, 0, 1, 1], [], []>, precision = #tpu.contract_precision<fp32>, transpose_lhs_hint = false} : vector<1x256xf32>, vector<256x10xf32>, vector<1x10xf32> -> vector<1x10xf32>
    %concatenate3A = tpu.concatenate %dot_general3A_27, %dot_general3A_29, %dot_general3A_31, %dot_general3A_36 in 0 : vector<1x10xf32>, vector<1x10xf32>, vector<1x10xf32>, vector<1x10xf32> -> vector<4x10xf32>
    %swap3A = arith.constant 0 : index
    %swap3A_37 = arith.constant 0 : index
    %swap3A_38 = vector.load %arg7[%swap3A, %swap3A_37] : memref<4x10xf32, #tpu.memory_space<vmem>>, vector<4x10xf32>
    tpu.vector_store %arg7[%swap3A, %swap3A_37], %concatenate3A {strides = array<i32>} : memref<4x10xf32, #tpu.memory_space<vmem>>, vector<4x10xf32>,
    return
  }
}

module attributes {stable_mosaic.version = 14 : i64} {
  func.func @_combine_body(%arg0: memref<4x128xf32, #tpu.memory_space<vmem>>, %arg1: memref<4x10xf32, #tpu.memory_space<vmem>>, %arg2: memref<1x10xf32, #tpu.memory_space<vmem>>, %arg3: memref<128x10xf32, #tpu.memory_space<vmem>>) attributes {dimension_semantics = [], scalar_prefetch = 0 : i64, scratch_operands = 0 : i64, tpu.core_type = #tpu.core_type<tc>} {
    %get3A = arith.constant 0 : index
    %get3A_0 = arith.constant 0 : index
    %get3A_1 = vector.load %arg0[%get3A, %get3A_0] : memref<4x128xf32, #tpu.memory_space<vmem>>, vector<4x128xf32>
    %slice3A = vector.extract_strided_slice %get3A_1 {offsets = [3, 0], sizes = [1, 128], strides = [1, 1]} : vector<4x128xf32> to vector<1x128xf32>
    %max3A = arith.constant 1.000000e+00 : f32
    %max3A_2 = vector.broadcast %max3A : f32 to vector<1x128xf32>
    %max3A_3 = arith.maximumf %slice3A, %max3A_2 : vector<1x128xf32>
    %div3A = arith.constant 1.000000e+00 : f32
    %div3A_4 = vector.broadcast %div3A : f32 to vector<1x128xf32>
    %div3A_5 = arith.divf %div3A_4, %max3A_3 : vector<1x128xf32>
    %mul3A = vector.broadcast %div3A_5 : vector<1x128xf32> to vector<4x128xf32>
    %mul3A_6 = arith.mulf %get3A_1, %mul3A : vector<4x128xf32>
    %get3A_7 = arith.constant 0 : index
    %get3A_8 = arith.constant 0 : index
    %get3A_9 = vector.load %arg1[%get3A_7, %get3A_8] : memref<4x10xf32, #tpu.memory_space<vmem>>, vector<4x10xf32>
    %dot_general3A = arith.constant dense<0.000000e+00> : vector<128x10xf32>
    %dot_general3A_10 = tpu.matmul %mul3A_6, %get3A_9, %dot_general3A {dimension_numbers = #tpu.dot_dimension_numbers<[0], [0], [1], [1], [0, 1, 1, 1], [], []>, precision = #tpu.contract_precision<fp32>, transpose_lhs_hint = false} : vector<4x128xf32>, vector<4x10xf32>, vector<128x10xf32> -> vector<128x10xf32>
    %get3A_11 = arith.constant 0 : index
    %get3A_12 = arith.constant 0 : index
    %get3A_13 = vector.load %arg2[%get3A_11, %get3A_12] : memref<1x10xf32, #tpu.memory_space<vmem>>, vector<1x10xf32>
    %add3A = vector.broadcast %get3A_13 : vector<1x10xf32> to vector<128x10xf32>
    %add3A_14 = arith.addf %dot_general3A_10, %add3A : vector<128x10xf32>
    %swap3A = arith.constant 0 : index
    %swap3A_15 = arith.constant 0 : index
    %swap3A_16 = vector.load %arg3[%swap3A, %swap3A_15] : memref<128x10xf32, #tpu.memory_space<vmem>>, vector<128x10xf32>
    tpu.vector_store %arg3[%swap3A, %swap3A_15], %add3A_14 {strides = array<i32>} : memref<128x10xf32, #tpu.memory_space<vmem>>, vector<128x10xf32>,
    return
  }
}

</mosaic_0001>

<sc_bundles>
// kernel: kernel.5.cloned.1.call-start
scs
__scs_entry_jumppad:
0x0: {  	(pc) =	sbr.rel $0x88, $3  }
0x1: {  	(tag) =	ssettag $0x0;
	lr =	simm.s32 $0x1  }
0x2: {  	[smem:$0x3F97] =	sst lr;
	_ =	strace $0xD0000000  }
0x3: {  	_ = 	snop  }
0x4: {  	_ = 	snop  }
0x5: {  	_ = 	snop  }
0x6: {  	_ = 	snop  }
0x7: {  	_ = 	snop  }
__scs_overlays_trampoline_lowered:
0x8: {  	[smem:$0x3FA6] =	sst s0  }
0x9: {  	[smem:$0x3FA7] =	sst s1  }
0xa: {  	[smem:$0x3FA8] =	sst s2  }
0xb: {  	[smem:$0x3FA9] =	sst s3  }
0xc: {  	[smem:$0x3FAA] =	sst s4  }
0xd: {  	[smem:$0x3FAB] =	sst s5  }
0xe: {  	[smem:$0x3FAC] =	sst s6  }
0xf: {  	[smem:$0x3FAD] =	sst s7  }
0x10: {  	[smem:$0x3FAE] =	sst s8  }
0x11: {  	[smem:$0x3FAF] =	sst s9;
	s0 =	simm.s32 @!p0 $0x0  }
0x12: {  	s1 =	sld [smem:$0x3F95];
	s0 =	simm.s32 @p0 $0x1  }
0x13: {  	[smem:$0x3FB0] =	sst s0;
	s0 =	simm.s32 @!p1 $0x0  }
0x14: {  	s2 =	sld [smem:$0x3F94];
	s0 =	simm.s32 @p1 $0x1  }
0x15: {  	[smem:$0x3FB1] =	sst s0;
	s0 =	simm.s32 @!p2 $0x0  }
0x16: {  	s3 =	sld [smem:$0x3FDB];
	s0 =	simm.s32 @p2 $0x1  }
0x17: {  	s4 =	simm.s32 $0x1BF5;
	[smem:$0x3FB3] =	sst s0  }
0x18: {  	s0 =	sld [smem:$0x3F96];
	_ =	swait.ge [sflag:s4], $0x0  }
0x19: {  	s7 =	sld [smem:$0x3F97]  }
0x1a: {  	s8 =	sadd.s32 $0xFFFFE003, lr  }
0x1b: {  	s9 =	sadd.s32 $0xFFFFFEF7, lr;
	s5 =	simm.s32 $0xFFFFFFFF;
	p2 =	slt.u32 s8, $0xFFFFF086  }
0x1c: {  	p1 =	slt.u32 s9, $0xF7A;
	s5 =	simm.s32 @!p2 $0x0  }
0x1d: {  	s5 =	simm.s32 @p1 $0x1;
	p0 =	seq.s32 s7, s2  }
0x1e: {  	s7 =	smul.u32 @!p0 $0xF7A, s2;
	p2 =	seq.s32 @!p0 s5, $0x0  }
0x1f: {  	s9 =	smul.u32 $0xF7A, s1;
	s8 =	simm.s32 @!p0 $0x1BF5;
	p2 =	por !p2, p0  }
0x20: {  	[sflag:s8] =	ssyncset.s32 @!p0 $0xFFFFF086;
	s6 =	sadd.s32 @!p0 s3, s7;
	s7 =	simm.s32 @!p0 $0x108  }
0x21: {  	s3 =	sadd.s32 s3, s9;
	s6 =	sadd.s32 @!p0 $0x88, s6;
	s7 =	simm.s32 @p2 $0x1082  }
0x22: {  	[simem:s7], [sflag:s8] =	dma.local @!p0 [hbm:s6], $0xF7A  }
0x23: {  	s9 =	sor.u32 $0xD0000000, s2;
	s6 =	simm.s32 $0x108;
	_ =	swait.ge @!p0 [sflag:s8], $0x0  }
0x24: {  	s3 =	sadd.s32 $0x88, s3;
	s6 =	simm.s32 @!p1 $0x1082;
	[sflag:s4] =	ssyncset.s32 $0xFFFFF086  }
0x25: {  	[simem:s6], [sflag:s4] =	dma.local [hbm:s3], $0xF7A  }
0x26: {  	[smem:$0x3F97] =	sst s1;
	(tag) =	ssettag s2;
	_ =	strace s9  }
0x27: {  	s1 =	sld [smem:$0x3FA7]  }
0x28: {  	s2 =	sld [smem:$0x3FA8]  }
0x29: {  	s4 =	sld [smem:$0x3FAA]  }
0x2a: {  	p0 =	seq.s32 s5, $0x0;
	s5 =	sld [smem:$0x3FAB]  }
0x2b: {  	s6 =	sld [smem:$0x3FAC]  }
0x2c: {  	s7 =	sld [smem:$0x3FAD]  }
0x2d: {  	s3 =	simm.s32 $0x108;
	s8 =	sld [smem:$0x3FAE]  }
0x2e: {  	s3 =	simm.s32 @!p0 $0x1082;
	s9 =	sld [smem:$0x3FAF]  }
0x2f: {  	lr =	sadd.s32 s0, s3;
	s0 =	sld [smem:$0x3FA6]  }
0x30: {  	s3 =	sld [smem:$0x3FA9]  }
0x31: {  	[smem:$0x3FB2] =	sst s10  }
0x32: {  	s10 =	sld [smem:$0x3FB0];
	_ =	sdelay $0x3  }
0x33: {  	p0 =	seq.s32 s10, $0x1;
	s10 =	sld [smem:$0x3FB2];
	_ =	sdelay $0x3  }
0x34: {  	[smem:$0x3FB2] =	sst s10  }
0x35: {  	s10 =	sld [smem:$0x3FB1];
	_ =	sdelay $0x3  }
0x36: {  	p1 =	seq.s32 s10, $0x1;
	s10 =	sld [smem:$0x3FB2];
	_ =	sdelay $0x3  }
0x37: {  	[smem:$0x3FB2] =	sst s10  }
0x38: {  	s10 =	sld [smem:$0x3FB3]  }
0x39: {  	_ = 	snop;
	(pc) =	sbr.ind lr, $3  }
0x3a: {  	_ = 	snop  }
0x3b: {  	_ = 	snop  }
0x3c: {  	p2 =	seq.s32 s10, $0x1;
	s10 =	sld [smem:$0x3FB2]  }
0x3d: {  	_ =	shalt  }
0x3e: {  	_ =	shalt  }
0x3f: {  	_ =	shalt  }
0x40: {  	_ =	shalt  }
0x41: {  	_ =	shalt  }
0x42: {  	_ =	shalt  }
0x43: {  	_ =	shalt  }
0x44: {  	_ =	shalt  }
0x45: {  	_ =	shalt  }
0x46: {  	_ =	shalt  }
0x47: {  	_ =	shalt  }
0x48: {  	_ =	shalt  }
0x49: {  	_ =	shalt  }
0x4a: {  	_ =	shalt  }
0x4b: {  	_ =	shalt  }
0x4c: {  	_ =	shalt  }
0x4d: {  	_ =	shalt  }
0x4e: {  	_ =	shalt  }
0x4f: {  	_ =	shalt  }
0x50: {  	_ =	shalt  }
0x51: {  	_ =	shalt  }
0x52: {  	_ =	shalt  }
0x53: {  	_ =	shalt  }
0x54: {  	_ =	shalt  }
0x55: {  	_ =	shalt  }
0x56: {  	_ =	shalt  }
0x57: {  	_ =	shalt  }
0x58: {  	_ =	shalt  }
0x59: {  	_ =	shalt  }
0x5a: {  	_ =	shalt  }
0x5b: {  	_ =	shalt  }
0x5c: {  	_ =	shalt  }
0x5d: {  	_ =	shalt  }
0x5e: {  	_ =	shalt  }
0x5f: {  	_ =	shalt  }
0x60: {  	_ =	shalt  }
0x61: {  	_ =	shalt  }
0x62: {  	_ =	shalt  }
0x63: {  	_ =	shalt  }
0x64: {  	_ =	shalt  }
0x65: {  	_ =	shalt  }
0x66: {  	_ =	shalt  }
0x67: {  	_ =	shalt  }
0x68: {  	_ =	shalt  }
0x69: {  	_ =	shalt  }
0x6a: {  	_ =	shalt  }
0x6b: {  	_ =	shalt  }
0x6c: {  	_ =	shalt  }
0x6d: {  	_ =	shalt  }
0x6e: {  	_ =	shalt  }
0x6f: {  	_ =	shalt  }
0x70: {  	_ =	shalt  }
0x71: {  	_ =	shalt  }
0x72: {  	_ =	shalt  }
0x73: {  	_ =	shalt  }
0x74: {  	_ =	shalt  }
0x75: {  	_ =	shalt  }
0x76: {  	_ =	shalt  }
0x77: {  	_ =	shalt  }
0x78: {  	_ =	shalt  }
0x79: {  	_ =	shalt  }
0x7a: {  	_ =	shalt  }
0x7b: {  	_ =	shalt  }
0x7c: {  	_ =	shalt  }
0x7d: {  	_ =	shalt  }
0x7e: {  	_ =	shalt  }
0x7f: {  	_ =	shalt  }
0x80: {  	_ =	shalt  }
0x81: {  	_ =	shalt  }
0x82: {  	_ =	shalt  }
0x83: {  	_ =	shalt  }
0x84: {  	_ =	shalt  }
0x85: {  	_ =	shalt  }
0x86: {  	_ =	shalt  }
0x87: {  	_ =	shalt  }
.Lfunc_end0:
.L_simem_size_0:
called_computation_lowered:
.L_overlay_start_0:
0x88: {  	s2 =	sld [smem:$0x3FD9]  }
0x89: {  	s3 =	sld [smem:$0x3FFE];
	_ =	sdelay $0x1  }
0x8a: {  	s1 =	srdreg.scid  }
0x8b: {  	s0 =	sand.u32 $0x1, s1  }
0x8c: {  	s17 =	sshll.u32 s0, $0xA;
	s2 =	sadd.s32 s3, s2  }
0x8d: {  	s2 =	sadd.s32 s2, s17  }
0x8e: {  	[smem:$0x3FBE] =	sst s2  }
0x8f: {  	_ = 	snop  }
0x90: {  	s2 =	sld [smem:$0x3FD0];
	(tm) =	ssettm $0x1  }
0x91: {  	s18 =	sld [smem:$0x3FFB];
	_ =	sdelay $0x3  }
0x92: {  	_ =	strace s18  }
0x93: {  	s3 =	sld [smem:$0x3FFC];
	_ =	sdelay $0x3  }
0x94: {  	_ =	strace s3  }
0x95: {  	s3 =	sld [smem:$0x3FFD];
	_ =	sdelay $0x3  }
0x96: {  	_ =	strace s3  }
0x97: {  	_ =	strace $0x8FFFFFFF  }
0x98: {  	s19 =	sld [smem:$0x3FDB];
	_ =	sdelay $0x1  }
0x99: {  	s4 =	simm.s32 $_scs_section_size  }
0x9a: {  	s5 =	simm.s32 $_size__tile_overlayer_lowered;
	s6 =	simm.s32 $_tile_overlayer_lowered  }
0x9b: {  	s22 =	simm.s32 $0x1BFF;
	s21 =	sshll.u32 s6, $0x1;
	s3 =	sadd.s32 s4, s19  }
0x9c: {  	s7 =	simm.s32 $0x0;
	s20 =	sshll.u32 s5, $0x1;
	s5 =	sadd.s32 s21, s3  }
0x9d: {  	[timem:s7], [sflag:s22] =	dma.local [hbm:s5], s20  }
0x9e: {  	_ =	swait.ge [sflag:s22], s20  }
0x9f: {  	s4 =	ssub.s32 $0x0, s20;
	[sflag:s22] =	ssyncset.done $0x0  }
0xa0: {  	[sflag:s22] =	ssyncadd.s32 s4;
	_ =	sdelay $0x1  }
0xa1: {  	s23 =	simm.s32 $0x1B8B  }
0xa2: {  	_ =	swait.ge [sflag:s23], $0x1  }
0xa3: {  	[sflag:s23] =	ssyncset.done $0x0  }
0xa4: {  	s25 =	simm.s32 $0x1B8E;
	s24 =	sld [smem:$0x3FFE];
	[sflag:s23] =	ssyncadd.s32 $0xFFFFFFFF  }
0xa5: {  	s26 =	simm.s32 $execute0_lowered;
	[smem:$0x3FD2] =	sst s25  }
0xa6: {  	s5 =	sshll.u32 s26, $0x1;
	_ =	strace $0x80000046;
	[dreg:$0x1] =	wrdreg $0xFFFFFFFF  }
0xa7: {  	s28 =	simm.s32 $_size_execute0_lowered;
	s3 =	sadd.s32 s3, s5;
	[dreg:$0x0] =	wrdreg $0x0  }
0xa8: {  	s5 =	sshll.u32 s28, $0x1;
	[dreg:$0x2] =	wrdreg s3  }
0xa9: {  	[dreg:$0x3] =	wrdreg s5  }
0xaa: {  	[dreg:$0x4] =	wrdreg $0xC0  }
0xab: {  	_ =	task [dreg:s7], $0x5FFFF  }
0xac: {  	[dreg:$0x1] =	wrdreg $0xFFFFFFFF  }
0xad: {  	[dreg:$0x0] =	wrdreg $0x60  }
0xae: {  	[dreg:$0x2] =	wrdreg s24  }
0xaf: {  	[dreg:$0x3] =	wrdreg s2  }
0xb0: {  	[dreg:$0x4] =	wrdreg $0x2800  }
0xb1: {  	[dreg:$0x5] =	wrdreg $0x5000  }
0xb2: {  	[dreg:$0x6] =	wrdreg $0x5100  }
0xb3: {  	[dreg:$0x7] =	wrdreg $0x5200  }
0xb4: {  	[dreg:$0x8] =	wrdreg $0x5300  }
0xb5: {  	[dreg:$0x9] =	wrdreg $0x0  }
0xb6: {  	[dreg:$0xa] =	wrdreg $0x9  }
0xb7: {  	_ =	task.clear_ibuf [dreg:s7], $0xBFFFF;
	_ =	strace $0x90000046  }
0xb8: {  	s29 =	simm.s32 $0x9;
	_ =	strace $0x80000048  }
0xb9: {  	_ =	swait.ge [sflag:s29], $0x1  }
0xba: {  	[sflag:s29] =	ssyncadd.s32 $0xFFFFFFFF  }
0xbb: {  	_ =	strace $0x90000048  }
0xbc: {  	_ =	sfence  }
0xbd: {  	s30 =	sld [smem:$0x0];
	_ =	sdelay $0x2  }
0xbe: {  	s31 =	sshll.u32 s1, $0xD;
	s1 =	sshrl.u32 s1, $0x2  }
0xbf: {  	s3 =	sand.u32 $0x4000, s31;
	s1 =	sadd.s32 s1, s30  }
0xc0: {  	s0 =	sor.u32 s3, s0;
	s1 =	sshll.u32 s1, $0x11  }
0xc1: {  	s0 =	sor.u32 s1, s0  }
0xc2: {  	s0 =	sadd.s32 $0x8F2B, s0  }
0xc3: {  	[sflag:s0] =	ssyncadd.remote.s32 $0x1  }
0xc4: {  	_ =	sfence.sel $0xFFFF  }
0xc5: {  	[dreg:$0x0] =	wrdreg $0xFFFFFFFF;
	(pc) =	sbr.abs _section_cstart, $3  }
0xc6: {  	[dreg:$0x1] =	wrdreg $0xFFFFFFFF  }
0xc7: {  	_ =	task.clear_ibuf [dreg:s7], $0x2FFFF;
	_ =	strace $0x9FFFFFFF  }
0xc8: {  	(tm) =	ssettm $0x7FFFFFFF  }
0xc9: {  	_ =	shalt  }
tec
execute0_lowered:
.L_overlay_start_1:
0x0: {  	(tag) =	ssettag $0x1  }
0x1: {  	s0 =	rddreg [dreg:$0x0]  }
0x2: {  	s15 =	rddreg [dreg:$0x1]  }
0x3: {  	s1 =	rddreg [dreg:$0x2]  }
0x4: {  	s3 =	rddreg [dreg:$0x3]  }
0x5: {  	s4 =	rddreg [dreg:$0x4]  }
0x6: {  	s5 =	rddreg [dreg:$0x5]  }
0x7: {  	s6 =	rddreg [dreg:$0x6]  }
0x8: {  	s7 =	rddreg [dreg:$0x7];
	s8 =	simm.s32 $0x0  }
0x9: {  	s16 =	stileid.u32;
	s2 =	srdreg.scid;
	s21 =	simm.s32 $0x3  }
0xa: {  	s22 =	simm.s32 $0x5540;
	s28 =	simm.s32 $0x2;
	s29 =	simm.s32 $0x1  }
0xb: {  	s30 =	simm.s32 $0x8440;
	s17 =	simm.s32 $0x840;
	s31 =	simm.s32 $0x8C0  }
0xc: {  	[smem:$0x7FF] =	sst s8;
	s9 =	smul.u32 $0x2800, s16;
	s2 =	sand.u32 $0x1, s2  }
0xd: {  	s11 =	sshll.u32 s16, $0x7;
	s19 =	smul.u32 $0x280, s16;
	p1 =	seq.s32 s16, $0x0  }
0xe: {  	s23 =	sadd.s32 $0x10, s15;
	s24 =	sadd.s32 $0x20, s15;
	s25 =	sadd.s32 $0x30, s15  }
0xf: {  	s15 =	simm.s32 $0x7C0;
	_ =	strace $0x80000047;
	[dreg:$0xc] =	wrdreg s23  }
0x10: {  	s10 =	ssub.s32 $0x2, s2;
	p0 =	seq.s32 s2, $0x1;
	[dreg:$0xd] =	wrdreg s24  }
0x11: {  	s20 =	sor.u32 s16, s2;
	[dreg:$0xe] =	wrdreg s25;
	s23 =	simm.s32 $0x81C0  }
0x12: {  	p3 =	seq.s32 s2, $0x0;
	p4 =	sne.s32 s2, $0x0;
	s24 =	simm.s32 $0x80  }
0x13: {  	s25 =	simm.s32 $0x8140;
	s9 =	sshrl.u32 s9, $0x3;
	s12 =	sshrl.u32 s10, $0x1  }
0x14: {  	s13 =	sadd.s32 s19, s1;
	s14 =	sadd.s32 s19, s7;
	p1 =	por !p1, !p0  }
0x15: {  	s19 =	simm.s32 $0x540;
	s2 =	simm.s32 @!p4 $0x0;
	p5 =	sne.s32 s20, $0x0  }
0x16: {  	s9 =	sadd.s32 s9, s0;
	s0 =	sadd.s32 s11, s0;
	s10 =	ssub.s32 s10, s12  }
0x17: {  	p2 =	por !p1, !p1;
	p1 =	sne.s32 s16, $0x0;
	s2 =	simm.s32 @p4 $0x1  }
.Ltmp0:
0x18: {  	s18 =	sadd.s32 $0x1800, s9;
	[smem:$0x7FD] =	sst s2;
	(pc) =	sbr.rel .LBB2_1-.Ltmp0, $4  }
0x19: {  	s12 =	simm.s32 $0x5B40;
	s9 =	sadd.s32 $0x6800, s9;
	[dreg:$0x9] =	wrdreg s18  }
0x1a: {  	s16 =	simm.s32 $0x5BC0;
	s0 =	sadd.s32 $0xB800, s0;
	[dreg:$0xa] =	wrdreg s9  }
0x1b: {  	s26 =	smax.u32 s10, $0x1;
	s2 =	simm.s32 $0x5CC0;
	[dreg:$0xb] =	wrdreg s0  }
0x1c: {  	v0 =	vimm.f32 $0.0e+00;
	[dreg:$0xf] =	wrdreg s26;
	s18 =	simm.s32 $0x5C40;
	s26 =	simm.s32 $0x0  }
.LBB2_23:
0x1d: {  	s0 =	stileid.u32  }
0x1e: {  	[bflag:$0x0] =	sbarrier.arrive $0xFFFF;
	s0 =	sshll.u32 @!p5 s0, $0x6  }
0x1f: {  	s9 =	sshrl.u32 @!p5 s3, $0x3;
	s10 =	rddreg [dreg:$0x1];
	s0 =	sor.u32 @!p5 $0x1C03, s0  }
0x20: {  	[hbm:s10], [sflag:s0] =	dma.local @!p5 [spmem:s9], $0x10  }
0x21: {  	s0 =	simm.s32 @!p5 $0x3  }
0x22: {  	_ =	swait.ge @!p5 [sflag:s0], $0x10  }
0x23: {  	s9 =	simm.s32 @p2 $0x1C03;
	[sflag:s0] =	ssyncset.done @!p5 $0x0  }
0x24: {  	s10 =	rddreg [dreg:$0xc];
	[sflag:s0] =	ssyncadd.s32 @!p5 $0xFFFFFFF0;
	s0 =	sshrl.u32 @p2 s4, $0x3  }
0x25: {  	[hbm:s10], [sflag:s9] =	dma.local @p2 [spmem:s0], $0x10  }
0x26: {  	s0 =	simm.s32 @p2 $0x3  }
0x27: {  	_ =	swait.ge @p2 [sflag:s0], $0x10  }
0x28: {  	[sflag:s0] =	ssyncset.done @p2 $0x0  }
0x29: {  	s10 =	sshrl.u32 @p2 s5, $0x3;
	s11 =	rddreg [dreg:$0xd];
	[sflag:s0] =	ssyncadd.s32 @p2 $0xFFFFFFF0  }
0x2a: {  	[hbm:s11], [sflag:s9] =	dma.local @p2 [spmem:s10], $0x10  }
0x2b: {  	_ =	swait.ge @p2 [sflag:s0], $0x10  }
0x2c: {  	[sflag:s0] =	ssyncset.done @p2 $0x0  }
0x2d: {  	s10 =	sshrl.u32 @p2 s6, $0x3;
	s11 =	rddreg [dreg:$0xe];
	[sflag:s0] =	ssyncadd.s32 @p2 $0xFFFFFFF0  }
0x2e: {  	[hbm:s11], [sflag:s9] =	dma.local @p2 [spmem:s10], $0x10  }
0x2f: {  	_ =	swait.ge @p2 [sflag:s0], $0x10  }
0x30: {  	s26 =	sadd.s32 $0x1, s26;
	s20 =	rddreg [dreg:$0xf]  }
0x31: {  	p4 =	sne.s32 s26, s20  }
.Ltmp1:
0x32: {  	_ = 	snop;
	(pc) =	sbr.rel @!p4 .LBB2_24-.Ltmp1, $3  }
0x33: {  	_ =	sdelay $0x1  }
0x34: {  	[sflag:s0] =	ssyncset.done @p2 $0x0  }
0x35: {  	[sflag:s0] =	ssyncadd.s32 @p2 $0xFFFFFFF0  }
.LBB2_1:
0x36: {  	p6 =	por $0x0, $0x0  }
0x37: {  	v1 =	vimm.f32 @!p6 $1.000000000e+00  }
0x38: {  	s0 =	simm.s32 $0x1;
	s9 =	simm.s32 $0x81C0;
	s10 =	simm.s32 $0x8140;
	[tilespmem:s25+$0x0] =	vst @!p6 v1  }
.LBB2_2:
0x39: {  	s20 =	smov.u32 s0;
	s0 =	sadd.s32 $0x1, s0  }
0x3a: {  	[tilespmem:s9+$0x0] =	vst v0;
	s9 =	sadd.s32 $0x10, s9;
	s10 =	sadd.s32 $0x10, s10;
	p6 =	sne.s32 s0, $0x28  }
.Ltmp2:
0x3b: {  	(pc) =	sbr.rel @p6 .LBB2_2-.Ltmp2, $4  }
0x3c: {  	_ = 	snop  }
0x3d: {  	p4 =	sgt.u32 s20, $0x7  }
0x3e: {  	v1 =	vimm.f32 @!p4 $1.000000000e+00  }
0x3f: {  	[tilespmem:s10+$0x0] =	vst @!p4 v1  }
0x40: {  	[tilespmem:s9+$0x0] =	vst v0;
	s0 =	rddreg [dreg:$0x9]  }
0x41: {  	[tilespmem:s19], [sflag:$0x1] =	stream.linear.gather [hbm4b:s0+s8], $0x2800, $0x38;
	[tilespmem:$0x90C0] =	vst v63  }
0x42: {  	s20 =	rddreg [dreg:$0xa];
	s10 =	simm.s32 $0x2D40  }
0x43: {  	[tilespmem:s10], [sflag:$0x3] =	stream.linear.gather [hbm4b:s20+s8], $0x2800, $0x38;
	[tilespmem:$0x90C0] =	vst v63  }
0x44: {  	_ =	swait.ge [sflag:s21], $0x2800  }
0x45: {  	[sflag:s21] =	ssyncset.done $0x0  }
0x46: {  	s9 =	rddreg [dreg:$0xb];
	[sflag:s21] =	ssyncadd.s32 $0xFFFFD800  }
0x47: {  	[tilespmem:s22], [sflag:$0x3] =	stream.linear.gather [hbm4b:s9+s8], $0x280, $0x38;
	[tilespmem:$0x90C0] =	vst v63  }
0x48: {  	_ =	swait.ge [sflag:s21], $0x280  }
0x49: {  	[sflag:s21] =	ssyncset.done $0x0  }
0x4a: {  	[sflag:s21] =	ssyncadd.s32 $0xFFFFFD80  }
0x4b: {  	[spmem:s13] =	stream.linear.scatter [tilespmem:s23], [sflag:$0x3], $0x280, $0x38;
	[tilespmem:$0x90C0] =	vst v63  }
0x4c: {  	_ =	swait.ge [sflag:s21], $0x280  }
0x4d: {  	[sflag:s21] =	ssyncset.done $0x0  }
0x4e: {  	s0 =	simm.s32 @!p1 $0x81C0;
	s9 =	simm.s32 @!p1 $0x3;
	[sflag:s21] =	ssyncadd.s32 $0xFFFFFD80  }
0x4f: {  	[spmem:s3] =	stream.linear.scatter @!p1 [tilespmem:s0], [sflag:$0x3], $0x88, $0x38;
	[tilespmem:$0x90C0] =	vst v63  }
0x50: {  	_ =	swait.ge @!p1 [sflag:s9], $0x88  }
0x51: {  	[sflag:s9] =	ssyncset.done @!p1 $0x0  }
0x52: {  	[sflag:s9] =	ssyncadd.s32 @!p1 $0xFFFFFF78  }
0x53: {  	[spmem:s4] =	stream.linear.scatter @!p1 [tilespmem:s0], [sflag:$0x3], $0x88, $0x38;
	[tilespmem:$0x90C0] =	vst v63  }
0x54: {  	_ =	swait.ge @!p1 [sflag:s9], $0x88  }
0x55: {  	[sflag:s9] =	ssyncset.done @!p1 $0x0  }
0x56: {  	[sflag:s9] =	ssyncadd.s32 @!p1 $0xFFFFFF78  }
0x57: {  	[spmem:s5] =	stream.linear.scatter @!p1 [tilespmem:s0], [sflag:$0x3], $0x88, $0x38;
	[tilespmem:$0x90C0] =	vst v63  }
0x58: {  	_ =	swait.ge @!p1 [sflag:s9], $0x88  }
0x59: {  	[sflag:s9] =	ssyncset.done @!p1 $0x0  }
0x5a: {  	[sflag:s9] =	ssyncadd.s32 @!p1 $0xFFFFFF78  }
0x5b: {  	[spmem:s6] =	stream.linear.scatter @!p1 [tilespmem:s0], [sflag:$0x3], $0x88, $0x38;
	[tilespmem:$0x90C0] =	vst v63  }
0x5c: {  	_ =	swait.ge @!p1 [sflag:s9], $0x88  }
0x5d: {  	[sflag:s9] =	ssyncset.done @!p1 $0x0  }
0x5e: {  	[sflag:s9] =	ssyncadd.s32 @!p1 $0xFFFFFF78  }
0x5f: {  	[bflag:$0x0] =	sbarrier.arrive $0xFFFF  }
0x60: {  	[spmem:s1] =	stream.indirect.scatter.add.f32 [tilespmem:s25], [sflag:$0x2], $0x1, s10, s24, $0xb8;
	[tilespmem:$0x90C0] =	vst v63  }
0x61: {  	s11 =	simm.s32 $0x2DC0  }
0x62: {  	[spmem:s1] =	stream.indirect.scatter.add.f32 [tilespmem:s25], [sflag:$0x2], $0x1, s11, s24, $0xb8;
	[tilespmem:$0x90C0] =	vst v63  }
0x63: {  	s20 =	simm.s32 $0x2E40  }
0x64: {  	[spmem:s1] =	stream.indirect.scatter.add.f32 [tilespmem:s25], [sflag:$0x2], $0x1, s20, s24, $0xb8;
	[tilespmem:$0x90C0] =	vst v63  }
0x65: {  	s9 =	simm.s32 $0x2EC0  }
0x66: {  	[spmem:s1] =	stream.indirect.scatter.add.f32 [tilespmem:s25], [sflag:$0x2], $0x1, s9, s24, $0xb8;
	[tilespmem:$0x90C0] =	vst v63  }
0x67: {  	s10 =	simm.s32 $0x2F40  }
0x68: {  	[spmem:s1] =	stream.indirect.scatter.add.f32 [tilespmem:s25], [sflag:$0x2], $0x1, s10, s24, $0xb8;
	[tilespmem:$0x90C0] =	vst v63  }
0x69: {  	s11 =	simm.s32 $0x2FC0  }
0x6a: {  	[spmem:s1] =	stream.indirect.scatter.add.f32 [tilespmem:s25], [sflag:$0x2], $0x1, s11, s24, $0xb8;
	[tilespmem:$0x90C0] =	vst v63  }
0x6b: {  	s20 =	simm.s32 $0x3040  }
0x6c: {  	[spmem:s1] =	stream.indirect.scatter.add.f32 [tilespmem:s25], [sflag:$0x2], $0x1, s20, s24, $0xb8;
	[tilespmem:$0x90C0] =	vst v63  }
0x6d: {  	s9 =	simm.s32 $0x30C0  }
0x6e: {  	[spmem:s1] =	stream.indirect.scatter.add.f32 [tilespmem:s25], [sflag:$0x2], $0x1, s9, s24, $0xb8;
	[tilespmem:$0x90C0] =	vst v63  }
0x6f: {  	_ =	swait.ge [sflag:s28], $0x80  }
0x70: {  	[sflag:s28] =	ssyncset.done $0x0  }
0x71: {  	[sflag:s28] =	ssyncadd.s32 $0xFFFFFF80  }
0x72: {  	_ =	swait.ge [sflag:s28], $0x80  }
0x73: {  	[sflag:s28] =	ssyncset.done $0x0  }
0x74: {  	[sflag:s28] =	ssyncadd.s32 $0xFFFFFF80  }
0x75: {  	_ =	swait.ge [sflag:s28], $0x80  }
0x76: {  	[sflag:s28] =	ssyncset.done $0x0  }
0x77: {  	[sflag:s28] =	ssyncadd.s32 $0xFFFFFF80  }
0x78: {  	_ =	swait.ge [sflag:s28], $0x80  }
0x79: {  	[sflag:s28] =	ssyncset.done $0x0  }
0x7a: {  	[sflag:s28] =	ssyncadd.s32 $0xFFFFFF80  }
0x7b: {  	_ =	swait.ge [sflag:s28], $0x80  }
0x7c: {  	[sflag:s28] =	ssyncset.done $0x0  }
0x7d: {  	[sflag:s28] =	ssyncadd.s32 $0xFFFFFF80  }
0x7e: {  	_ =	swait.ge [sflag:s28], $0x80  }
0x7f: {  	[sflag:s28] =	ssyncset.done $0x0  }
0x80: {  	[sflag:s28] =	ssyncadd.s32 $0xFFFFFF80  }
0x81: {  	_ =	swait.ge [sflag:s28], $0x80  }
0x82: {  	[sflag:s28] =	ssyncset.done $0x0  }
0x83: {  	[sflag:s28] =	ssyncadd.s32 $0xFFFFFF80  }
0x84: {  	_ =	swait.ge [sflag:s28], $0x80  }
0x85: {  	[sflag:s28] =	ssyncset.done $0x0  }
0x86: {  	s10 =	simm.s32 $0x3140;
	[sflag:s28] =	ssyncadd.s32 $0xFFFFFF80  }
0x87: {  	[spmem:s1] =	stream.indirect.scatter.add.f32 [tilespmem:s25], [sflag:$0x2], $0x1, s10, s24, $0xb8;
	[tilespmem:$0x90C0] =	vst v63  }
0x88: {  	s11 =	simm.s32 $0x31C0  }
0x89: {  	[spmem:s1] =	stream.indirect.scatter.add.f32 [tilespmem:s25], [sflag:$0x2], $0x1, s11, s24, $0xb8;
	[tilespmem:$0x90C0] =	vst v63  }
0x8a: {  	s20 =	simm.s32 $0x3240  }
0x8b: {  	[spmem:s1] =	stream.indirect.scatter.add.f32 [tilespmem:s25], [sflag:$0x2], $0x1, s20, s24, $0xb8;
	[tilespmem:$0x90C0] =	vst v63  }
0x8c: {  	s9 =	simm.s32 $0x32C0  }
0x8d: {  	[spmem:s1] =	stream.indirect.scatter.add.f32 [tilespmem:s25], [sflag:$0x2], $0x1, s9, s24, $0xb8;
	[tilespmem:$0x90C0] =	vst v63  }
0x8e: {  	s10 =	simm.s32 $0x3340  }
0x8f: {  	[spmem:s1] =	stream.indirect.scatter.add.f32 [tilespmem:s25], [sflag:$0x2], $0x1, s10, s24, $0xb8;
	[tilespmem:$0x90C0] =	vst v63  }
0x90: {  	s11 =	simm.s32 $0x33C0  }
0x91: {  	[spmem:s1] =	stream.indirect.scatter.add.f32 [tilespmem:s25], [sflag:$0x2], $0x1, s11, s24, $0xb8;
	[tilespmem:$0x90C0] =	vst v63  }
0x92: {  	s0 =	simm.s32 $0x1000;
	s20 =	simm.s32 $0x3440;
	s9 =	simm.s32 $0x34C0  }
0x93: {  	[spmem:s1] =	stream.indirect.scatter.add.f32 [tilespmem:s25], [sflag:$0x2], $0x1, s20, s24, $0xb8;
	[tilespmem:$0x90C0] =	vst v63  }
.LBB2_4:
0x94: {  	[spmem:s1] =	stream.indirect.scatter.add.f32 [tilespmem:s25], [sflag:$0x2], $0x1, s9, s24, $0xb8;
	[tilespmem:$0x90C0] =	vst v63  }
0x95: {  	s9 =	smov.u32 s0  }
0x96: {  	p6 =	sne.s32 s0, $0x8000;
	s0 =	sadd.s32 $0x1000, s0;
	_ =	swait.ge [sflag:s28], $0x80  }
0x97: {  	[sflag:s28] =	ssyncset.done $0x0  }
0x98: {  	[sflag:s28] =	ssyncadd.s32 $0xFFFFFF80  }
0x99: {  	_ =	swait.ge [sflag:s28], $0x80  }
0x9a: {  	[sflag:s28] =	ssyncset.done $0x0  }
0x9b: {  	[sflag:s28] =	ssyncadd.s32 $0xFFFFFF80  }
0x9c: {  	_ =	swait.ge [sflag:s28], $0x80  }
0x9d: {  	[sflag:s28] =	ssyncset.done $0x0  }
0x9e: {  	[sflag:s28] =	ssyncadd.s32 $0xFFFFFF80  }
0x9f: {  	_ =	swait.ge [sflag:s28], $0x80  }
0xa0: {  	[sflag:s28] =	ssyncset.done $0x0  }
0xa1: {  	[sflag:s28] =	ssyncadd.s32 $0xFFFFFF80  }
0xa2: {  	_ =	swait.ge [sflag:s28], $0x80  }
0xa3: {  	[sflag:s28] =	ssyncset.done $0x0  }
0xa4: {  	[sflag:s28] =	ssyncadd.s32 $0xFFFFFF80  }
0xa5: {  	_ =	swait.ge [sflag:s28], $0x80  }
0xa6: {  	[sflag:s28] =	ssyncset.done $0x0  }
0xa7: {  	[sflag:s28] =	ssyncadd.s32 $0xFFFFFF80  }
0xa8: {  	_ =	swait.ge [sflag:s28], $0x80  }
0xa9: {  	[sflag:s28] =	ssyncset.done $0x0  }
0xaa: {  	[sflag:s28] =	ssyncadd.s32 $0xFFFFFF80  }
0xab: {  	_ =	swait.ge [sflag:s28], $0x80  }
0xac: {  	s9 =	sshra.s32 s9, $0x2;
	[sflag:s28] =	ssyncset.done $0x0  }
0xad: {  	s10 =	sadd.s32 $0x3140, s9;
	[sflag:s28] =	ssyncadd.s32 $0xFFFFFF80  }
0xae: {  	[spmem:s1] =	stream.indirect.scatter.add.f32 [tilespmem:s25], [sflag:$0x2], $0x1, s10, s24, $0xb8;
	[tilespmem:$0x90C0] =	vst v63  }
0xaf: {  	s10 =	sadd.s32 $0x31C0, s9  }
0xb0: {  	[spmem:s1] =	stream.indirect.scatter.add.f32 [tilespmem:s25], [sflag:$0x2], $0x1, s10, s24, $0xb8;
	[tilespmem:$0x90C0] =	vst v63  }
0xb1: {  	s10 =	sadd.s32 $0x3240, s9  }
0xb2: {  	[spmem:s1] =	stream.indirect.scatter.add.f32 [tilespmem:s25], [sflag:$0x2], $0x1, s10, s24, $0xb8;
	[tilespmem:$0x90C0] =	vst v63  }
0xb3: {  	s10 =	sadd.s32 $0x32C0, s9  }
0xb4: {  	[spmem:s1] =	stream.indirect.scatter.add.f32 [tilespmem:s25], [sflag:$0x2], $0x1, s10, s24, $0xb8;
	[tilespmem:$0x90C0] =	vst v63  }
0xb5: {  	s10 =	sadd.s32 $0x3340, s9  }
0xb6: {  	[spmem:s1] =	stream.indirect.scatter.add.f32 [tilespmem:s25], [sflag:$0x2], $0x1, s10, s24, $0xb8;
	[tilespmem:$0x90C0] =	vst v63  }
.Ltmp3:
0xb7: {  	s10 =	sadd.s32 $0x33C0, s9;
	(pc) =	sbr.rel @p6 .LBB2_4-.Ltmp3, $4  }
0xb8: {  	[spmem:s1] =	stream.indirect.scatter.add.f32 [tilespmem:s25], [sflag:$0x2], $0x1, s10, s24, $0xb8;
	[tilespmem:$0x90C0] =	vst v63  }
0xb9: {  	s10 =	sadd.s32 $0x3440, s9  }
0xba: {  	[spmem:s1] =	stream.indirect.scatter.add.f32 [tilespmem:s25], [sflag:$0x2], $0x1, s10, s24, $0xb8;
	[tilespmem:$0x90C0] =	vst v63  }
0xbb: {  	s9 =	sadd.s32 $0x34C0, s9  }
0xbc: {  	[spmem:s1] =	stream.indirect.scatter.add.f32 [tilespmem:s25], [sflag:$0x2], $0x1, s9, s24, $0xb8;
	[tilespmem:$0x90C0] =	vst v63  }
0xbd: {  	_ =	swait.ge [sflag:s28], $0x80  }
0xbe: {  	[sflag:s28] =	ssyncset.done $0x0  }
0xbf: {  	[sflag:s28] =	ssyncadd.s32 $0xFFFFFF80  }
0xc0: {  	_ =	swait.ge [sflag:s28], $0x80  }
0xc1: {  	[sflag:s28] =	ssyncset.done $0x0  }
0xc2: {  	[sflag:s28] =	ssyncadd.s32 $0xFFFFFF80  }
0xc3: {  	_ =	swait.ge [sflag:s28], $0x80  }
0xc4: {  	[sflag:s28] =	ssyncset.done $0x0  }
0xc5: {  	[sflag:s28] =	ssyncadd.s32 $0xFFFFFF80  }
0xc6: {  	_ =	swait.ge [sflag:s28], $0x80  }
0xc7: {  	[sflag:s28] =	ssyncset.done $0x0  }
0xc8: {  	[sflag:s28] =	ssyncadd.s32 $0xFFFFFF80  }
0xc9: {  	_ =	swait.ge [sflag:s28], $0x80  }
0xca: {  	[sflag:s28] =	ssyncset.done $0x0  }
0xcb: {  	[sflag:s28] =	ssyncadd.s32 $0xFFFFFF80  }
0xcc: {  	_ =	swait.ge [sflag:s28], $0x80  }
0xcd: {  	[sflag:s28] =	ssyncset.done $0x0  }
0xce: {  	[sflag:s28] =	ssyncadd.s32 $0xFFFFFF80  }
0xcf: {  	_ =	swait.ge [sflag:s28], $0x80  }
0xd0: {  	[sflag:s28] =	ssyncset.done $0x0  }
0xd1: {  	[sflag:s28] =	ssyncadd.s32 $0xFFFFFF80  }
0xd2: {  	_ =	swait.ge [sflag:s28], $0x80  }
0xd3: {  	[sflag:s28] =	ssyncset.done $0x0  }
0xd4: {  	[sflag:s28] =	ssyncadd.s32 $0xFFFFFF80  }
0xd5: {  	_ =	swait.ge [sflag:s29], $0x2800  }
0xd6: {  	[sflag:s29] =	ssyncset.done $0x0  }
0xd7: {  	[sflag:s29] =	ssyncadd.s32 $0xFFFFD800  }
0xd8: {  	[bflag:$0x0] =	sbarrier.arrive $0xFFFF  }
0xd9: {  	[tilespmem:s30], [sflag:$0x3] =	stream.linear.gather [spmem:s13], $0x280, $0x38;
	[tilespmem:$0x90C0] =	vst v63  }
0xda: {  	_ =	swait.ge [sflag:s21], $0x280  }
0xdb: {  	[sflag:s21] =	ssyncset.done $0x0  }
0xdc: {  	s0 =	simm.s32 $0x0;
	s9 =	simm.s32 $0x40;
	[sflag:s21] =	ssyncadd.s32 $0xFFFFFD80  }
.LBB2_6:
0xdd: {  	p6 =	sne.s32 s9, $0x9C0;
	v1 =	vld [tilespmem:s0+$0x8440];
	_ =	sdelay $0x4  }
0xde: {  	v2 =	vmax.f32 v1, $1.000000000e+00  }
0xdf: {  	v3 =	vshra.s32 v2, $0x1;
	v2 =	vmul.f32 $5.000000000e-01, v2  }
0xe0: {  	v3 =	vsub.s32 $0x5F3759DF, v3  }
0xe1: {  	v4 =	vmul.f32 v3, v2;
	_ =	sdelay $0x1  }
0xe2: {  	v4 =	vmul.f32 v3, v4;
	_ =	sdelay $0x1  }
0xe3: {  	v4 =	vsub.f32 $1.500000000e+00, v4;
	_ =	sdelay $0x1  }
0xe4: {  	v3 =	vmul.f32 v3, v4;
	_ =	sdelay $0x1  }
0xe5: {  	v4 =	vmul.f32 v3, v2;
	_ =	sdelay $0x1  }
0xe6: {  	v4 =	vmul.f32 v4, v3;
	_ =	sdelay $0x1  }
0xe7: {  	v4 =	vsub.f32 $1.500000000e+00, v4;
	_ =	sdelay $0x1  }
0xe8: {  	v3 =	vmul.f32 v4, v3;
	_ =	sdelay $0x1  }
0xe9: {  	v2 =	vmul.f32 v3, v2;
	_ =	sdelay $0x1  }
0xea: {  	v2 =	vmul.f32 v2, v3;
	_ =	sdelay $0x1  }
0xeb: {  	v2 =	vsub.f32 $1.500000000e+00, v2;
	_ =	sdelay $0x1  }
0xec: {  	v2 =	vmul.f32 v2, v3  }
.Ltmp4:
0xed: {  	(pc) =	sbr.rel @p6 .LBB2_6-.Ltmp4, $3  }
0xee: {  	[tilespmem:s0+$0x86C0] =	vst v2;
	v3 =	vmul.f32 v2, v2;
	v1 =	vmul.f32 v2, v1;
	_ =	sdelay $0x1  }
0xef: {  	[tilespmem:s0+$0x8940] =	vst v3;
	v1 =	vpsel p3, v1, v2  }
0xf0: {  	[tilespmem:s0+$0x8440] =	vst v1;
	s0 =	sshra.s32 s9, $0x2;
	s9 =	sadd.s32 $0x40, s9  }
0xf1: {  	v1 =	vld [tilespmem:s0+$0x8440];
	_ =	sdelay $0x4  }
0xf2: {  	v2 =	vmax.f32 v1, $1.000000000e+00  }
0xf3: {  	v3 =	vshra.s32 v2, $0x1;
	v2 =	vmul.f32 $5.000000000e-01, v2  }
0xf4: {  	v3 =	vsub.s32 $0x5F3759DF, v3  }
0xf5: {  	v4 =	vmul.f32 v3, v2;
	_ =	sdelay $0x1  }
0xf6: {  	v4 =	vmul.f32 v3, v4;
	_ =	sdelay $0x1  }
0xf7: {  	v4 =	vsub.f32 $1.500000000e+00, v4;
	_ =	sdelay $0x1  }
0xf8: {  	v3 =	vmul.f32 v3, v4;
	_ =	sdelay $0x1  }
0xf9: {  	v4 =	vmul.f32 v3, v2;
	_ =	sdelay $0x1  }
0xfa: {  	v4 =	vmul.f32 v4, v3;
	_ =	sdelay $0x1  }
0xfb: {  	v4 =	vsub.f32 $1.500000000e+00, v4;
	_ =	sdelay $0x1  }
0xfc: {  	v3 =	vmul.f32 v4, v3;
	_ =	sdelay $0x1  }
0xfd: {  	v2 =	vmul.f32 v3, v2;
	_ =	sdelay $0x1  }
0xfe: {  	v2 =	vmul.f32 v2, v3;
	_ =	sdelay $0x1  }
0xff: {  	v2 =	vsub.f32 $1.500000000e+00, v2;
	_ =	sdelay $0x1  }
0x100: {  	v2 =	vmul.f32 v2, v3;
	_ =	sdelay $0x1  }
0x101: {  	v3 =	vmul.f32 v2, v2;
	v1 =	vmul.f32 v2, v1  }
0x102: {  	[tilespmem:s0+$0x86C0] =	vst v2  }
0x103: {  	[tilespmem:s0+$0x8940] =	vst v3;
	v1 =	vpsel p3, v1, v2  }
0x104: {  	[tilespmem:s0+$0x8440] =	vst v1  }
0x105: {  	[spmem:s14] =	stream.linear.scatter [tilespmem:s30], [sflag:$0x3], $0x280, $0x38;
	[tilespmem:$0x90C0] =	vst v63  }
0x106: {  	_ =	swait.ge [sflag:s21], $0x280  }
0x107: {  	[sflag:s21] =	ssyncset.done $0x0  }
0x108: {  	[sflag:s21] =	ssyncadd.s32 $0xFFFFFD80  }
0x109: {  	[spmem:s13] =	stream.linear.scatter [tilespmem:s23], [sflag:$0x3], $0x280, $0x38;
	[tilespmem:$0x90C0] =	vst v63  }
0x10a: {  	_ =	swait.ge [sflag:s21], $0x280  }
0x10b: {  	[sflag:s21] =	ssyncset.done $0x0  }
0x10c: {  	[sflag:s21] =	ssyncadd.s32 $0xFFFFFD80  }
0x10d: {  	s9 =	simm.s32 $0x5940;
	[bflag:$0x0] =	sbarrier.arrive $0xFFFF  }
0x10e: {  	[tilespmem:s9], [sflag:$0x1] =	stream.indirect.gather [spmem:s7], $0x1, s19, s24, $0xb8;
	[tilespmem:$0x90C0] =	vst v63  }
0x10f: {  	s10 =	simm.s32 $0x5C0;
	s9 =	simm.s32 $0x59C0  }
0x110: {  	[tilespmem:s9], [sflag:$0x1] =	stream.indirect.gather [spmem:s7], $0x1, s10, s24, $0xb8;
	[tilespmem:$0x90C0] =	vst v63  }
0x111: {  	s11 =	simm.s32 $0x640;
	s20 =	simm.s32 $0x5A40  }
0x112: {  	[tilespmem:s20], [sflag:$0x1] =	stream.indirect.gather [spmem:s7], $0x1, s11, s24, $0xb8;
	[tilespmem:$0x90C0] =	vst v63  }
0x113: {  	s10 =	simm.s32 $0x6C0;
	s11 =	simm.s32 $0x5AC0  }
0x114: {  	[tilespmem:s11], [sflag:$0x1] =	stream.indirect.gather [spmem:s7], $0x1, s10, s24, $0xb8;
	[tilespmem:$0x90C0] =	vst v63  }
0x115: {  	s20 =	simm.s32 $0x740  }
0x116: {  	[tilespmem:s12], [sflag:$0x1] =	stream.indirect.gather [spmem:s7], $0x1, s20, s24, $0xb8;
	[tilespmem:$0x90C0] =	vst v63  }
0x117: {  	_ = 	snop  }
0x118: {  	[tilespmem:s16], [sflag:$0x1] =	stream.indirect.gather [spmem:s7], $0x1, s15, s24, $0xb8;
	[tilespmem:$0x90C0] =	vst v63  }
0x119: {  	_ = 	snop  }
0x11a: {  	[tilespmem:s18], [sflag:$0x1] =	stream.indirect.gather [spmem:s7], $0x1, s17, s24, $0xb8;
	[tilespmem:$0x90C0] =	vst v63  }
0x11b: {  	s0 =	simm.s32 $0x0  }
0x11c: {  	[tilespmem:s2], [sflag:$0x1] =	stream.indirect.gather [spmem:s7], $0x1, s31, s24, $0xb8;
	[tilespmem:$0x90C0] =	vst v63  }
.LBB2_8:
0x11d: {  	_ =	swait.ge [sflag:s29], $0x80  }
0x11e: {  	[sflag:s29] =	ssyncset.done $0x0  }
0x11f: {  	[sflag:s29] =	ssyncadd.s32 $0xFFFFFF80  }
0x120: {  	_ =	swait.ge [sflag:s29], $0x80  }
0x121: {  	[sflag:s29] =	ssyncset.done $0x0  }
0x122: {  	[sflag:s29] =	ssyncadd.s32 $0xFFFFFF80  }
0x123: {  	_ =	swait.ge [sflag:s29], $0x80  }
0x124: {  	[sflag:s29] =	ssyncset.done $0x0  }
0x125: {  	[sflag:s29] =	ssyncadd.s32 $0xFFFFFF80  }
0x126: {  	_ =	swait.ge [sflag:s29], $0x80  }
0x127: {  	[sflag:s29] =	ssyncset.done $0x0  }
0x128: {  	[sflag:s29] =	ssyncadd.s32 $0xFFFFFF80  }
0x129: {  	_ =	swait.ge [sflag:s29], $0x80  }
0x12a: {  	[sflag:s29] =	ssyncset.done $0x0  }
0x12b: {  	[sflag:s29] =	ssyncadd.s32 $0xFFFFFF80  }
0x12c: {  	_ =	swait.ge [sflag:s29], $0x80  }
0x12d: {  	[sflag:s29] =	ssyncset.done $0x0  }
0x12e: {  	[sflag:s29] =	ssyncadd.s32 $0xFFFFFF80  }
0x12f: {  	_ =	swait.ge [sflag:s29], $0x80  }
0x130: {  	[sflag:s29] =	ssyncset.done $0x0  }
0x131: {  	[sflag:s29] =	ssyncadd.s32 $0xFFFFFF80  }
0x132: {  	p6 =	seq.s32 s0, $0x9000;
	_ =	swait.ge [sflag:s29], $0x80  }
0x133: {  	s9 =	sshra.s32 @!p6 s0, $0x2;
	s11 =	simm.s32 @!p6 $0x80;
	[sflag:s29] =	ssyncset.done $0x0  }
0x134: {  	s10 =	sadd.s32 @!p6 $0x5D40, s9;
	s20 =	sadd.s32 @!p6 $0x940, s9;
	[sflag:s29] =	ssyncadd.s32 $0xFFFFFF80  }
0x135: {  	[tilespmem:s10], [sflag:$0x1] =	stream.indirect.gather @!p6 [spmem:s7], $0x1, s20, s11, $0xb8;
	[tilespmem:$0x90C0] =	vst v63  }
0x136: {  	s10 =	sadd.s32 @!p6 $0x5DC0, s9;
	s20 =	sadd.s32 @!p6 $0x9C0, s9  }
0x137: {  	[tilespmem:s10], [sflag:$0x1] =	stream.indirect.gather @!p6 [spmem:s7], $0x1, s20, s11, $0xb8;
	[tilespmem:$0x90C0] =	vst v63  }
0x138: {  	s10 =	sadd.s32 @!p6 $0x5E40, s9;
	s20 =	sadd.s32 @!p6 $0xA40, s9  }
0x139: {  	[tilespmem:s10], [sflag:$0x1] =	stream.indirect.gather @!p6 [spmem:s7], $0x1, s20, s11, $0xb8;
	[tilespmem:$0x90C0] =	vst v63  }
0x13a: {  	s10 =	sadd.s32 @!p6 $0x5EC0, s9;
	s20 =	sadd.s32 @!p6 $0xAC0, s9  }
0x13b: {  	[tilespmem:s10], [sflag:$0x1] =	stream.indirect.gather @!p6 [spmem:s7], $0x1, s20, s11, $0xb8;
	[tilespmem:$0x90C0] =	vst v63  }
0x13c: {  	s10 =	sadd.s32 @!p6 $0x5F40, s9;
	s20 =	sadd.s32 @!p6 $0xB40, s9  }
0x13d: {  	[tilespmem:s10], [sflag:$0x1] =	stream.indirect.gather @!p6 [spmem:s7], $0x1, s20, s11, $0xb8;
	[tilespmem:$0x90C0] =	vst v63  }
0x13e: {  	s10 =	sadd.s32 @!p6 $0x5FC0, s9;
	s20 =	sadd.s32 @!p6 $0xBC0, s9  }
0x13f: {  	[tilespmem:s10], [sflag:$0x1] =	stream.indirect.gather @!p6 [spmem:s7], $0x1, s20, s11, $0xb8;
	[tilespmem:$0x90C0] =	vst v63  }
0x140: {  	p4 =	seq.s32 @!p6 s0, $0x0;
	s10 =	sadd.s32 @!p6 $0x6040, s9;
	s20 =	sadd.s32 @!p6 $0xC40, s9  }
0x141: {  	[tilespmem:s10], [sflag:$0x1] =	stream.indirect.gather @!p6 [spmem:s7], $0x1, s20, s11, $0xb8;
	[tilespmem:$0x90C0] =	vst v63  }
0x142: {  	p4 =	por p6, !p4;
	s10 =	sadd.s32 @!p6 $0x60C0, s9;
	s9 =	sadd.s32 @!p6 $0xCC0, s9  }
0x143: {  	[tilespmem:s10], [sflag:$0x1] =	stream.indirect.gather @!p6 [spmem:s7], $0x1, s9, s11, $0xb8;
	[tilespmem:$0x90C0] =	vst v63  }
0x144: {  	_ =	swait.ge @p4 [sflag:s28], $0x80  }
0x145: {  	[sflag:s28] =	ssyncset.done @p4 $0x0  }
0x146: {  	[sflag:s28] =	ssyncadd.s32 @p4 $0xFFFFFF80  }
0x147: {  	_ =	swait.ge @p4 [sflag:s28], $0x80  }
0x148: {  	[sflag:s28] =	ssyncset.done @p4 $0x0  }
0x149: {  	[sflag:s28] =	ssyncadd.s32 @p4 $0xFFFFFF80  }
0x14a: {  	_ =	swait.ge @p4 [sflag:s28], $0x80  }
0x14b: {  	[sflag:s28] =	ssyncset.done @p4 $0x0  }
0x14c: {  	[sflag:s28] =	ssyncadd.s32 @p4 $0xFFFFFF80  }
0x14d: {  	_ =	swait.ge @p4 [sflag:s28], $0x80  }
0x14e: {  	[sflag:s28] =	ssyncset.done @p4 $0x0  }
0x14f: {  	[sflag:s28] =	ssyncadd.s32 @p4 $0xFFFFFF80  }
0x150: {  	_ =	swait.ge @p4 [sflag:s28], $0x80  }
0x151: {  	[sflag:s28] =	ssyncset.done @p4 $0x0  }
0x152: {  	[sflag:s28] =	ssyncadd.s32 @p4 $0xFFFFFF80  }
0x153: {  	_ =	swait.ge @p4 [sflag:s28], $0x80  }
0x154: {  	[sflag:s28] =	ssyncset.done @p4 $0x0  }
0x155: {  	[sflag:s28] =	ssyncadd.s32 @p4 $0xFFFFFF80  }
0x156: {  	_ =	swait.ge @p4 [sflag:s28], $0x80  }
0x157: {  	[sflag:s28] =	ssyncset.done @p4 $0x0  }
0x158: {  	[sflag:s28] =	ssyncadd.s32 @p4 $0xFFFFFF80  }
0x159: {  	_ =	swait.ge @p4 [sflag:s28], $0x80  }
0x15a: {  	s9 =	sshra.s32 s0, $0x2;
	[sflag:s28] =	ssyncset.done @p4 $0x0  }
0x15b: {  	s11 =	sadd.s32 $0x5940, s9;
	s20 =	sadd.s32 $0x2D40, s9;
	[sflag:s28] =	ssyncadd.s32 @p4 $0xFFFFFF80  }
0x15c: {  	[spmem:s1] =	stream.indirect.scatter.add.f32 [tilespmem:s11], [sflag:$0x2], $0x1, s20, s24, $0xb8;
	[tilespmem:$0x90C0] =	vst v63  }
0x15d: {  	s11 =	sadd.s32 $0x59C0, s9;
	s20 =	sadd.s32 $0x2DC0, s9  }
0x15e: {  	[spmem:s1] =	stream.indirect.scatter.add.f32 [tilespmem:s11], [sflag:$0x2], $0x1, s20, s24, $0xb8;
	[tilespmem:$0x90C0] =	vst v63  }
0x15f: {  	s11 =	sadd.s32 $0x5A40, s9;
	s20 =	sadd.s32 $0x2E40, s9  }
0x160: {  	[spmem:s1] =	stream.indirect.scatter.add.f32 [tilespmem:s11], [sflag:$0x2], $0x1, s20, s24, $0xb8;
	[tilespmem:$0x90C0] =	vst v63  }
0x161: {  	s11 =	sadd.s32 $0x5AC0, s9;
	s20 =	sadd.s32 $0x2EC0, s9  }
0x162: {  	[spmem:s1] =	stream.indirect.scatter.add.f32 [tilespmem:s11], [sflag:$0x2], $0x1, s20, s24, $0xb8;
	[tilespmem:$0x90C0] =	vst v63  }
0x163: {  	s0 =	sadd.s32 $0x1000, s0;
	s11 =	sadd.s32 $0x5B40, s9;
	s20 =	sadd.s32 $0x2F40, s9  }
0x164: {  	[spmem:s1] =	stream.indirect.scatter.add.f32 [tilespmem:s11], [sflag:$0x2], $0x1, s20, s24, $0xb8;
	[tilespmem:$0x90C0] =	vst v63  }
0x165: {  	p4 =	seq.s32 s0, $0xA000;
	s11 =	sadd.s32 $0x5BC0, s9;
	s20 =	sadd.s32 $0x2FC0, s9  }
0x166: {  	[spmem:s1] =	stream.indirect.scatter.add.f32 [tilespmem:s11], [sflag:$0x2], $0x1, s20, s24, $0xb8;
	[tilespmem:$0x90C0] =	vst v63  }
.Ltmp5:
0x167: {  	_ = 	snop;
	(pc) =	sbr.rel @!p4 .LBB2_8-.Ltmp5, $4  }
0x168: {  	s11 =	sadd.s32 $0x5C40, s9;
	s20 =	sadd.s32 $0x3040, s9  }
0x169: {  	[spmem:s1] =	stream.indirect.scatter.add.f32 [tilespmem:s11], [sflag:$0x2], $0x1, s20, s24, $0xb8;
	[tilespmem:$0x90C0] =	vst v63  }
0x16a: {  	s20 =	sadd.s32 $0x5CC0, s9;
	s9 =	sadd.s32 $0x30C0, s9  }
0x16b: {  	[spmem:s1] =	stream.indirect.scatter.add.f32 [tilespmem:s20], [sflag:$0x2], $0x1, s9, s24, $0xb8;
	[tilespmem:$0x90C0] =	vst v63  }
0x16c: {  	_ =	swait.ge [sflag:s28], $0x80  }
0x16d: {  	[sflag:s28] =	ssyncset.done $0x0  }
0x16e: {  	[sflag:s28] =	ssyncadd.s32 $0xFFFFFF80  }
0x16f: {  	_ =	swait.ge [sflag:s28], $0x80  }
0x170: {  	[sflag:s28] =	ssyncset.done $0x0  }
0x171: {  	[sflag:s28] =	ssyncadd.s32 $0xFFFFFF80  }
0x172: {  	_ =	swait.ge [sflag:s28], $0x80  }
0x173: {  	[sflag:s28] =	ssyncset.done $0x0  }
0x174: {  	[sflag:s28] =	ssyncadd.s32 $0xFFFFFF80  }
0x175: {  	_ =	swait.ge [sflag:s28], $0x80  }
0x176: {  	[sflag:s28] =	ssyncset.done $0x0  }
0x177: {  	[sflag:s28] =	ssyncadd.s32 $0xFFFFFF80  }
0x178: {  	_ =	swait.ge [sflag:s28], $0x80  }
0x179: {  	[sflag:s28] =	ssyncset.done $0x0  }
0x17a: {  	[sflag:s28] =	ssyncadd.s32 $0xFFFFFF80  }
0x17b: {  	_ =	swait.ge [sflag:s28], $0x80  }
0x17c: {  	[sflag:s28] =	ssyncset.done $0x0  }
0x17d: {  	[sflag:s28] =	ssyncadd.s32 $0xFFFFFF80  }
0x17e: {  	_ =	swait.ge [sflag:s28], $0x80  }
0x17f: {  	[sflag:s28] =	ssyncset.done $0x0  }
0x180: {  	[sflag:s28] =	ssyncadd.s32 $0xFFFFFF80  }
0x181: {  	_ =	swait.ge [sflag:s28], $0x80  }
0x182: {  	[sflag:s28] =	ssyncset.done $0x0  }
0x183: {  	[sflag:s28] =	ssyncadd.s32 $0xFFFFFF80  }
0x184: {  	[bflag:$0x0] =	sbarrier.arrive $0xFFFF  }
0x185: {  	[tilespmem:s30], [sflag:$0x3] =	stream.linear.gather [spmem:s13], $0x280, $0x38;
	[tilespmem:$0x90C0] =	vst v63  }
0x186: {  	_ =	swait.ge [sflag:s21], $0x280  }
0x187: {  	[sflag:s21] =	ssyncset.done $0x0  }
0x188: {  	s0 =	simm.s32 $0x0;
	[sflag:s21] =	ssyncadd.s32 $0xFFFFFD80  }
0x189: {  	v1 =	vld [tilespmem:s0+$0x8940]  }
0x18a: {  	v2 =	vld [tilespmem:s0+$0x8440]  }
0x18b: {  	v3 =	vld [tilespmem:s0+$0x86C0];
	_ =	sdelay $0x3  }
0x18c: {  	v4 =	vmul.f32 v1, v2  }
0x18d: {  	s9 =	simm.s32 $0x10;
	v2 =	vmul.f32 v3, v2  }
0x18e: {  	s10 =	simm.s32 $0x80;
	v1 =	vld [tilespmem:s9+$0x8940];
	[tilespmem:s0+$0x8440] =	vst v4  }
.LBB2_10:
0x18f: {  	p6 =	sne.s32 s10, $0x9C0;
	v3 =	vld [tilespmem:s9+$0x8440];
	[tilespmem:s0+$0x8BC0] =	vst v2;
	s0 =	smov.u32 s9  }
0x190: {  	v2 =	vld [tilespmem:s0+$0x86C0];
	_ =	sdelay $0x1  }
.Ltmp6:
0x191: {  	(pc) =	sbr.rel @p6 .LBB2_10-.Ltmp6, $4  }
0x192: {  	_ = 	snop  }
0x193: {  	v4 =	vmul.f32 v1, v3  }
0x194: {  	s9 =	sshra.s32 s10, $0x2;
	v2 =	vmul.f32 v2, v3  }
0x195: {  	s10 =	sadd.s32 $0x40, s10;
	v1 =	vld [tilespmem:s9+$0x8940];
	[tilespmem:s0+$0x8440] =	vst v4  }
0x196: {  	v3 =	vld [tilespmem:s9+$0x8440];
	[tilespmem:s0+$0x8BC0] =	vst v2  }
0x197: {  	v2 =	vld [tilespmem:s9+$0x86C0];
	_ =	sdelay $0x3  }
0x198: {  	v1 =	vmul.f32 v1, v3  }
0x199: {  	v2 =	vmul.f32 v2, v3  }
0x19a: {  	[tilespmem:s9+$0x8440] =	vst v1  }
0x19b: {  	[tilespmem:s9+$0x8BC0] =	vst v2  }
0x19c: {  	[spmem:s14] =	stream.linear.scatter [tilespmem:s30], [sflag:$0x3], $0x280, $0x38;
	[tilespmem:$0x90C0] =	vst v63  }
0x19d: {  	_ =	swait.ge [sflag:s21], $0x280  }
0x19e: {  	[sflag:s21] =	ssyncset.done $0x0  }
0x19f: {  	[sflag:s21] =	ssyncadd.s32 $0xFFFFFD80  }
0x1a0: {  	[spmem:s13] =	stream.linear.scatter [tilespmem:s23], [sflag:$0x3], $0x280, $0x38;
	[tilespmem:$0x90C0] =	vst v63  }
0x1a1: {  	_ =	swait.ge [sflag:s21], $0x280  }
0x1a2: {  	[sflag:s21] =	ssyncset.done $0x0  }
0x1a3: {  	[sflag:s21] =	ssyncadd.s32 $0xFFFFFD80  }
0x1a4: {  	s20 =	simm.s32 $0x5940;
	[bflag:$0x0] =	sbarrier.arrive $0xFFFF  }
0x1a5: {  	[tilespmem:s20], [sflag:$0x1] =	stream.indirect.gather [spmem:s7], $0x1, s19, s24, $0xb8;
	[tilespmem:$0x90C0] =	vst v63  }
0x1a6: {  	s10 =	simm.s32 $0x59C0;
	s9 =	simm.s32 $0x5C0  }
0x1a7: {  	[tilespmem:s10], [sflag:$0x1] =	stream.indirect.gather [spmem:s7], $0x1, s9, s24, $0xb8;
	[tilespmem:$0x90C0] =	vst v63  }
0x1a8: {  	s11 =	simm.s32 $0x640;
	s20 =	simm.s32 $0x5A40  }
0x1a9: {  	[tilespmem:s20], [sflag:$0x1] =	stream.indirect.gather [spmem:s7], $0x1, s11, s24, $0xb8;
	[tilespmem:$0x90C0] =	vst v63  }
0x1aa: {  	s10 =	simm.s32 $0x6C0;
	s11 =	simm.s32 $0x5AC0  }
0x1ab: {  	[tilespmem:s11], [sflag:$0x1] =	stream.indirect.gather [spmem:s7], $0x1, s10, s24, $0xb8;
	[tilespmem:$0x90C0] =	vst v63  }
0x1ac: {  	s20 =	simm.s32 $0x740  }
0x1ad: {  	[tilespmem:s12], [sflag:$0x1] =	stream.indirect.gather [spmem:s7], $0x1, s20, s24, $0xb8;
	[tilespmem:$0x90C0] =	vst v63  }
0x1ae: {  	_ = 	snop  }
0x1af: {  	[tilespmem:s16], [sflag:$0x1] =	stream.indirect.gather [spmem:s7], $0x1, s15, s24, $0xb8;
	[tilespmem:$0x90C0] =	vst v63  }
0x1b0: {  	_ = 	snop  }
0x1b1: {  	[tilespmem:s18], [sflag:$0x1] =	stream.indirect.gather [spmem:s7], $0x1, s17, s24, $0xb8;
	[tilespmem:$0x90C0] =	vst v63  }
0x1b2: {  	s0 =	simm.s32 $0x0  }
0x1b3: {  	[tilespmem:s2], [sflag:$0x1] =	stream.indirect.gather [spmem:s7], $0x1, s31, s24, $0xb8;
	[tilespmem:$0x90C0] =	vst v63  }
.LBB2_12:
0x1b4: {  	_ =	swait.ge [sflag:s29], $0x80  }
0x1b5: {  	[sflag:s29] =	ssyncset.done $0x0  }
0x1b6: {  	[sflag:s29] =	ssyncadd.s32 $0xFFFFFF80  }
0x1b7: {  	_ =	swait.ge [sflag:s29], $0x80  }
0x1b8: {  	[sflag:s29] =	ssyncset.done $0x0  }
0x1b9: {  	[sflag:s29] =	ssyncadd.s32 $0xFFFFFF80  }
0x1ba: {  	_ =	swait.ge [sflag:s29], $0x80  }
0x1bb: {  	[sflag:s29] =	ssyncset.done $0x0  }
0x1bc: {  	[sflag:s29] =	ssyncadd.s32 $0xFFFFFF80  }
0x1bd: {  	_ =	swait.ge [sflag:s29], $0x80  }
0x1be: {  	[sflag:s29] =	ssyncset.done $0x0  }
0x1bf: {  	[sflag:s29] =	ssyncadd.s32 $0xFFFFFF80  }
0x1c0: {  	_ =	swait.ge [sflag:s29], $0x80  }
0x1c1: {  	[sflag:s29] =	ssyncset.done $0x0  }
0x1c2: {  	[sflag:s29] =	ssyncadd.s32 $0xFFFFFF80  }
0x1c3: {  	_ =	swait.ge [sflag:s29], $0x80  }
0x1c4: {  	[sflag:s29] =	ssyncset.done $0x0  }
0x1c5: {  	[sflag:s29] =	ssyncadd.s32 $0xFFFFFF80  }
0x1c6: {  	_ =	swait.ge [sflag:s29], $0x80  }
0x1c7: {  	[sflag:s29] =	ssyncset.done $0x0  }
0x1c8: {  	[sflag:s29] =	ssyncadd.s32 $0xFFFFFF80  }
0x1c9: {  	p6 =	seq.s32 s0, $0x9000;
	_ =	swait.ge [sflag:s29], $0x80  }
0x1ca: {  	s9 =	sshra.s32 @!p6 s0, $0x2;
	s20 =	simm.s32 @!p6 $0x80;
	[sflag:s29] =	ssyncset.done $0x0  }
0x1cb: {  	s10 =	sadd.s32 @!p6 $0x5D40, s9;
	s11 =	sadd.s32 @!p6 $0x940, s9;
	[sflag:s29] =	ssyncadd.s32 $0xFFFFFF80  }
0x1cc: {  	[tilespmem:s10], [sflag:$0x1] =	stream.indirect.gather @!p6 [spmem:s7], $0x1, s11, s20, $0xb8;
	[tilespmem:$0x90C0] =	vst v63  }
0x1cd: {  	s10 =	sadd.s32 @!p6 $0x5DC0, s9;
	s11 =	sadd.s32 @!p6 $0x9C0, s9  }
0x1ce: {  	[tilespmem:s10], [sflag:$0x1] =	stream.indirect.gather @!p6 [spmem:s7], $0x1, s11, s20, $0xb8;
	[tilespmem:$0x90C0] =	vst v63  }
0x1cf: {  	s10 =	sadd.s32 @!p6 $0x5E40, s9;
	s11 =	sadd.s32 @!p6 $0xA40, s9  }
0x1d0: {  	[tilespmem:s10], [sflag:$0x1] =	stream.indirect.gather @!p6 [spmem:s7], $0x1, s11, s20, $0xb8;
	[tilespmem:$0x90C0] =	vst v63  }
0x1d1: {  	s10 =	sadd.s32 @!p6 $0x5EC0, s9;
	s11 =	sadd.s32 @!p6 $0xAC0, s9  }
0x1d2: {  	[tilespmem:s10], [sflag:$0x1] =	stream.indirect.gather @!p6 [spmem:s7], $0x1, s11, s20, $0xb8;
	[tilespmem:$0x90C0] =	vst v63  }
0x1d3: {  	s10 =	sadd.s32 @!p6 $0x5F40, s9;
	s11 =	sadd.s32 @!p6 $0xB40, s9  }
0x1d4: {  	[tilespmem:s10], [sflag:$0x1] =	stream.indirect.gather @!p6 [spmem:s7], $0x1, s11, s20, $0xb8;
	[tilespmem:$0x90C0] =	vst v63  }
0x1d5: {  	s10 =	sadd.s32 @!p6 $0x5FC0, s9;
	s11 =	sadd.s32 @!p6 $0xBC0, s9  }
0x1d6: {  	[tilespmem:s10], [sflag:$0x1] =	stream.indirect.gather @!p6 [spmem:s7], $0x1, s11, s20, $0xb8;
	[tilespmem:$0x90C0] =	vst v63  }
0x1d7: {  	p4 =	seq.s32 @!p6 s0, $0x0;
	s10 =	sadd.s32 @!p6 $0x6040, s9;
	s11 =	sadd.s32 @!p6 $0xC40, s9  }
0x1d8: {  	[tilespmem:s10], [sflag:$0x1] =	stream.indirect.gather @!p6 [spmem:s7], $0x1, s11, s20, $0xb8;
	[tilespmem:$0x90C0] =	vst v63  }
0x1d9: {  	p4 =	por p6, !p4;
	s10 =	sadd.s32 @!p6 $0x60C0, s9;
	s9 =	sadd.s32 @!p6 $0xCC0, s9  }
0x1da: {  	[tilespmem:s10], [sflag:$0x1] =	stream.indirect.gather @!p6 [spmem:s7], $0x1, s9, s20, $0xb8;
	[tilespmem:$0x90C0] =	vst v63  }
0x1db: {  	_ =	swait.ge @p4 [sflag:s28], $0x80  }
0x1dc: {  	[sflag:s28] =	ssyncset.done @p4 $0x0  }
0x1dd: {  	[sflag:s28] =	ssyncadd.s32 @p4 $0xFFFFFF80  }
0x1de: {  	_ =	swait.ge @p4 [sflag:s28], $0x80  }
0x1df: {  	[sflag:s28] =	ssyncset.done @p4 $0x0  }
0x1e0: {  	[sflag:s28] =	ssyncadd.s32 @p4 $0xFFFFFF80  }
0x1e1: {  	_ =	swait.ge @p4 [sflag:s28], $0x80  }
0x1e2: {  	[sflag:s28] =	ssyncset.done @p4 $0x0  }
0x1e3: {  	[sflag:s28] =	ssyncadd.s32 @p4 $0xFFFFFF80  }
0x1e4: {  	_ =	swait.ge @p4 [sflag:s28], $0x80  }
0x1e5: {  	[sflag:s28] =	ssyncset.done @p4 $0x0  }
0x1e6: {  	[sflag:s28] =	ssyncadd.s32 @p4 $0xFFFFFF80  }
0x1e7: {  	_ =	swait.ge @p4 [sflag:s28], $0x80  }
0x1e8: {  	[sflag:s28] =	ssyncset.done @p4 $0x0  }
0x1e9: {  	[sflag:s28] =	ssyncadd.s32 @p4 $0xFFFFFF80  }
0x1ea: {  	_ =	swait.ge @p4 [sflag:s28], $0x80  }
0x1eb: {  	[sflag:s28] =	ssyncset.done @p4 $0x0  }
0x1ec: {  	[sflag:s28] =	ssyncadd.s32 @p4 $0xFFFFFF80  }
0x1ed: {  	_ =	swait.ge @p4 [sflag:s28], $0x80  }
0x1ee: {  	[sflag:s28] =	ssyncset.done @p4 $0x0  }
0x1ef: {  	[sflag:s28] =	ssyncadd.s32 @p4 $0xFFFFFF80  }
0x1f0: {  	_ =	swait.ge @p4 [sflag:s28], $0x80  }
0x1f1: {  	s9 =	sshra.s32 s0, $0x2;
	[sflag:s28] =	ssyncset.done @p4 $0x0  }
0x1f2: {  	s11 =	sadd.s32 $0x5940, s9;
	s20 =	sadd.s32 $0x2D40, s9;
	[sflag:s28] =	ssyncadd.s32 @p4 $0xFFFFFF80  }
0x1f3: {  	[spmem:s1] =	stream.indirect.scatter.add.f32 [tilespmem:s11], [sflag:$0x2], $0x1, s20, s24, $0xb8;
	[tilespmem:$0x90C0] =	vst v63  }
0x1f4: {  	s11 =	sadd.s32 $0x59C0, s9;
	s20 =	sadd.s32 $0x2DC0, s9  }
0x1f5: {  	[spmem:s1] =	stream.indirect.scatter.add.f32 [tilespmem:s11], [sflag:$0x2], $0x1, s20, s24, $0xb8;
	[tilespmem:$0x90C0] =	vst v63  }
0x1f6: {  	s11 =	sadd.s32 $0x5A40, s9;
	s20 =	sadd.s32 $0x2E40, s9  }
0x1f7: {  	[spmem:s1] =	stream.indirect.scatter.add.f32 [tilespmem:s11], [sflag:$0x2], $0x1, s20, s24, $0xb8;
	[tilespmem:$0x90C0] =	vst v63  }
0x1f8: {  	s11 =	sadd.s32 $0x5AC0, s9;
	s20 =	sadd.s32 $0x2EC0, s9  }
0x1f9: {  	[spmem:s1] =	stream.indirect.scatter.add.f32 [tilespmem:s11], [sflag:$0x2], $0x1, s20, s24, $0xb8;
	[tilespmem:$0x90C0] =	vst v63  }
0x1fa: {  	s0 =	sadd.s32 $0x1000, s0;
	s11 =	sadd.s32 $0x5B40, s9;
	s20 =	sadd.s32 $0x2F40, s9  }
0x1fb: {  	[spmem:s1] =	stream.indirect.scatter.add.f32 [tilespmem:s11], [sflag:$0x2], $0x1, s20, s24, $0xb8;
	[tilespmem:$0x90C0] =	vst v63  }
0x1fc: {  	p4 =	seq.s32 s0, $0xA000;
	s11 =	sadd.s32 $0x5BC0, s9;
	s20 =	sadd.s32 $0x2FC0, s9  }
0x1fd: {  	[spmem:s1] =	stream.indirect.scatter.add.f32 [tilespmem:s11], [sflag:$0x2], $0x1, s20, s24, $0xb8;
	[tilespmem:$0x90C0] =	vst v63  }
.Ltmp7:
0x1fe: {  	_ = 	snop;
	(pc) =	sbr.rel @!p4 .LBB2_12-.Ltmp7, $4  }
0x1ff: {  	s11 =	sadd.s32 $0x5C40, s9;
	s20 =	sadd.s32 $0x3040, s9  }
0x200: {  	[spmem:s1] =	stream.indirect.scatter.add.f32 [tilespmem:s11], [sflag:$0x2], $0x1, s20, s24, $0xb8;
	[tilespmem:$0x90C0] =	vst v63  }
0x201: {  	s20 =	sadd.s32 $0x5CC0, s9;
	s9 =	sadd.s32 $0x30C0, s9  }
0x202: {  	[spmem:s1] =	stream.indirect.scatter.add.f32 [tilespmem:s20], [sflag:$0x2], $0x1, s9, s24, $0xb8;
	[tilespmem:$0x90C0] =	vst v63  }
0x203: {  	_ =	swait.ge [sflag:s28], $0x80  }
0x204: {  	[sflag:s28] =	ssyncset.done $0x0  }
0x205: {  	[sflag:s28] =	ssyncadd.s32 $0xFFFFFF80  }
0x206: {  	_ =	swait.ge [sflag:s28], $0x80  }
0x207: {  	[sflag:s28] =	ssyncset.done $0x0  }
0x208: {  	[sflag:s28] =	ssyncadd.s32 $0xFFFFFF80  }
0x209: {  	_ =	swait.ge [sflag:s28], $0x80  }
0x20a: {  	[sflag:s28] =	ssyncset.done $0x0  }
0x20b: {  	[sflag:s28] =	ssyncadd.s32 $0xFFFFFF80  }
0x20c: {  	_ =	swait.ge [sflag:s28], $0x80  }
0x20d: {  	[sflag:s28] =	ssyncset.done $0x0  }
0x20e: {  	[sflag:s28] =	ssyncadd.s32 $0xFFFFFF80  }
0x20f: {  	_ =	swait.ge [sflag:s28], $0x80  }
0x210: {  	[sflag:s28] =	ssyncset.done $0x0  }
0x211: {  	[sflag:s28] =	ssyncadd.s32 $0xFFFFFF80  }
0x212: {  	_ =	swait.ge [sflag:s28], $0x80  }
0x213: {  	[sflag:s28] =	ssyncset.done $0x0  }
0x214: {  	[sflag:s28] =	ssyncadd.s32 $0xFFFFFF80  }
0x215: {  	_ =	swait.ge [sflag:s28], $0x80  }
0x216: {  	[sflag:s28] =	ssyncset.done $0x0  }
0x217: {  	[sflag:s28] =	ssyncadd.s32 $0xFFFFFF80  }
0x218: {  	_ =	swait.ge [sflag:s28], $0x80  }
0x219: {  	[sflag:s28] =	ssyncset.done $0x0  }
0x21a: {  	[sflag:s28] =	ssyncadd.s32 $0xFFFFFF80  }
0x21b: {  	[bflag:$0x0] =	sbarrier.arrive $0xFFFF  }
0x21c: {  	[tilespmem:s30], [sflag:$0x3] =	stream.linear.gather [spmem:s13], $0x280, $0x38;
	[tilespmem:$0x90C0] =	vst v63  }
0x21d: {  	_ =	swait.ge [sflag:s21], $0x280  }
0x21e: {  	[sflag:s21] =	ssyncset.done $0x0  }
0x21f: {  	s0 =	simm.s32 $0x0;
	[sflag:s21] =	ssyncadd.s32 $0xFFFFFD80  }
0x220: {  	v1 =	vld [tilespmem:s0+$0x8940]  }
0x221: {  	v2 =	vld [tilespmem:s0+$0x8440]  }
0x222: {  	v3 =	vld [tilespmem:s0+$0x86C0];
	_ =	sdelay $0x3  }
0x223: {  	v4 =	vmul.f32 v1, v2  }
0x224: {  	s9 =	simm.s32 $0x10;
	v2 =	vmul.f32 v3, v2  }
0x225: {  	s10 =	simm.s32 $0x80;
	v1 =	vld [tilespmem:s9+$0x8940];
	[tilespmem:s0+$0x8440] =	vst v4  }
.LBB2_14:
0x226: {  	p6 =	sne.s32 s10, $0x9C0;
	v3 =	vld [tilespmem:s9+$0x8440];
	[tilespmem:s0+$0x8E40] =	vst v2;
	s0 =	smov.u32 s9  }
0x227: {  	v2 =	vld [tilespmem:s0+$0x86C0];
	_ =	sdelay $0x1  }
.Ltmp8:
0x228: {  	(pc) =	sbr.rel @p6 .LBB2_14-.Ltmp8, $4  }
0x229: {  	_ = 	snop  }
0x22a: {  	v4 =	vmul.f32 v1, v3  }
0x22b: {  	s9 =	sshra.s32 s10, $0x2;
	v2 =	vmul.f32 v2, v3  }
0x22c: {  	s10 =	sadd.s32 $0x40, s10;
	v1 =	vld [tilespmem:s9+$0x8940];
	[tilespmem:s0+$0x8440] =	vst v4  }
0x22d: {  	v3 =	vld [tilespmem:s9+$0x8440];
	[tilespmem:s0+$0x8E40] =	vst v2;
	s20 =	sld [smem:$0x7FD]  }
0x22e: {  	v2 =	vld [tilespmem:s9+$0x86C0];
	_ =	sdelay $0x1  }
0x22f: {  	p4 =	seq.s32 s20, $0x1  }
.Ltmp9:
0x230: {  	_ = 	snop;
	(pc) =	sbr.rel @p4 .LBB2_21-.Ltmp9, $4  }
0x231: {  	v1 =	vmul.f32 v1, v3  }
0x232: {  	v2 =	vmul.f32 v2, v3  }
0x233: {  	[tilespmem:s9+$0x8440] =	vst v1  }
0x234: {  	[tilespmem:s9+$0x8E40] =	vst v2  }
0x235: {  	[spmem:s14] =	stream.linear.scatter [tilespmem:s30], [sflag:$0x3], $0x280, $0x38;
	[tilespmem:$0x90C0] =	vst v63  }
0x236: {  	_ =	swait.ge [sflag:s21], $0x280  }
0x237: {  	[sflag:s21] =	ssyncset.done $0x0  }
0x238: {  	[sflag:s21] =	ssyncadd.s32 $0xFFFFFD80  }
0x239: {  	[spmem:s13] =	stream.linear.scatter [tilespmem:s23], [sflag:$0x3], $0x280, $0x38;
	[tilespmem:$0x90C0] =	vst v63  }
0x23a: {  	_ =	swait.ge [sflag:s21], $0x280  }
0x23b: {  	[sflag:s21] =	ssyncset.done $0x0  }
0x23c: {  	[sflag:s21] =	ssyncadd.s32 $0xFFFFFD80  }
0x23d: {  	s0 =	simm.s32 $0x5940;
	[bflag:$0x0] =	sbarrier.arrive $0xFFFF  }
0x23e: {  	[tilespmem:s0], [sflag:$0x1] =	stream.indirect.gather [spmem:s7], $0x1, s19, s24, $0xb8;
	[tilespmem:$0x90C0] =	vst v63  }
0x23f: {  	s10 =	simm.s32 $0x5C0;
	s9 =	simm.s32 $0x59C0  }
0x240: {  	[tilespmem:s9], [sflag:$0x1] =	stream.indirect.gather [spmem:s7], $0x1, s10, s24, $0xb8;
	[tilespmem:$0x90C0] =	vst v63  }
0x241: {  	s11 =	simm.s32 $0x640;
	s20 =	simm.s32 $0x5A40  }
0x242: {  	[tilespmem:s20], [sflag:$0x1] =	stream.indirect.gather [spmem:s7], $0x1, s11, s24, $0xb8;
	[tilespmem:$0x90C0] =	vst v63  }
0x243: {  	s10 =	simm.s32 $0x6C0;
	s11 =	simm.s32 $0x5AC0  }
0x244: {  	[tilespmem:s11], [sflag:$0x1] =	stream.indirect.gather [spmem:s7], $0x1, s10, s24, $0xb8;
	[tilespmem:$0x90C0] =	vst v63  }
0x245: {  	s20 =	simm.s32 $0x740  }
0x246: {  	[tilespmem:s12], [sflag:$0x1] =	stream.indirect.gather [spmem:s7], $0x1, s20, s24, $0xb8;
	[tilespmem:$0x90C0] =	vst v63  }
0x247: {  	_ = 	snop  }
0x248: {  	[tilespmem:s16], [sflag:$0x1] =	stream.indirect.gather [spmem:s7], $0x1, s15, s24, $0xb8;
	[tilespmem:$0x90C0] =	vst v63  }
0x249: {  	_ = 	snop  }
0x24a: {  	[tilespmem:s18], [sflag:$0x1] =	stream.indirect.gather [spmem:s7], $0x1, s17, s24, $0xb8;
	[tilespmem:$0x90C0] =	vst v63  }
0x24b: {  	s0 =	simm.s32 $0x0  }
0x24c: {  	[tilespmem:s2], [sflag:$0x1] =	stream.indirect.gather [spmem:s7], $0x1, s31, s24, $0xb8;
	[tilespmem:$0x90C0] =	vst v63  }
.LBB2_17:
0x24d: {  	_ =	swait.ge [sflag:s29], $0x80  }
0x24e: {  	[sflag:s29] =	ssyncset.done $0x0  }
0x24f: {  	[sflag:s29] =	ssyncadd.s32 $0xFFFFFF80  }
0x250: {  	_ =	swait.ge [sflag:s29], $0x80  }
0x251: {  	[sflag:s29] =	ssyncset.done $0x0  }
0x252: {  	[sflag:s29] =	ssyncadd.s32 $0xFFFFFF80  }
0x253: {  	_ =	swait.ge [sflag:s29], $0x80  }
0x254: {  	[sflag:s29] =	ssyncset.done $0x0  }
0x255: {  	[sflag:s29] =	ssyncadd.s32 $0xFFFFFF80  }
0x256: {  	_ =	swait.ge [sflag:s29], $0x80  }
0x257: {  	[sflag:s29] =	ssyncset.done $0x0  }
0x258: {  	[sflag:s29] =	ssyncadd.s32 $0xFFFFFF80  }
0x259: {  	_ =	swait.ge [sflag:s29], $0x80  }
0x25a: {  	[sflag:s29] =	ssyncset.done $0x0  }
0x25b: {  	[sflag:s29] =	ssyncadd.s32 $0xFFFFFF80  }
0x25c: {  	_ =	swait.ge [sflag:s29], $0x80  }
0x25d: {  	[sflag:s29] =	ssyncset.done $0x0  }
0x25e: {  	[sflag:s29] =	ssyncadd.s32 $0xFFFFFF80  }
0x25f: {  	_ =	swait.ge [sflag:s29], $0x80  }
0x260: {  	[sflag:s29] =	ssyncset.done $0x0  }
0x261: {  	[sflag:s29] =	ssyncadd.s32 $0xFFFFFF80  }
0x262: {  	p6 =	seq.s32 s0, $0x9000;
	_ =	swait.ge [sflag:s29], $0x80  }
0x263: {  	s9 =	sshra.s32 @!p6 s0, $0x2;
	s20 =	simm.s32 @!p6 $0x80;
	[sflag:s29] =	ssyncset.done $0x0  }
0x264: {  	s10 =	sadd.s32 @!p6 $0x5D40, s9;
	s11 =	sadd.s32 @!p6 $0x940, s9;
	[sflag:s29] =	ssyncadd.s32 $0xFFFFFF80  }
0x265: {  	[tilespmem:s10], [sflag:$0x1] =	stream.indirect.gather @!p6 [spmem:s7], $0x1, s11, s20, $0xb8;
	[tilespmem:$0x90C0] =	vst v63  }
0x266: {  	s10 =	sadd.s32 @!p6 $0x5DC0, s9;
	s11 =	sadd.s32 @!p6 $0x9C0, s9  }
0x267: {  	[tilespmem:s10], [sflag:$0x1] =	stream.indirect.gather @!p6 [spmem:s7], $0x1, s11, s20, $0xb8;
	[tilespmem:$0x90C0] =	vst v63  }
0x268: {  	s10 =	sadd.s32 @!p6 $0x5E40, s9;
	s11 =	sadd.s32 @!p6 $0xA40, s9  }
0x269: {  	[tilespmem:s10], [sflag:$0x1] =	stream.indirect.gather @!p6 [spmem:s7], $0x1, s11, s20, $0xb8;
	[tilespmem:$0x90C0] =	vst v63  }
0x26a: {  	s10 =	sadd.s32 @!p6 $0x5EC0, s9;
	s11 =	sadd.s32 @!p6 $0xAC0, s9  }
0x26b: {  	[tilespmem:s10], [sflag:$0x1] =	stream.indirect.gather @!p6 [spmem:s7], $0x1, s11, s20, $0xb8;
	[tilespmem:$0x90C0] =	vst v63  }
0x26c: {  	s10 =	sadd.s32 @!p6 $0x5F40, s9;
	s11 =	sadd.s32 @!p6 $0xB40, s9  }
0x26d: {  	[tilespmem:s10], [sflag:$0x1] =	stream.indirect.gather @!p6 [spmem:s7], $0x1, s11, s20, $0xb8;
	[tilespmem:$0x90C0] =	vst v63  }
0x26e: {  	s10 =	sadd.s32 @!p6 $0x5FC0, s9;
	s11 =	sadd.s32 @!p6 $0xBC0, s9  }
0x26f: {  	[tilespmem:s10], [sflag:$0x1] =	stream.indirect.gather @!p6 [spmem:s7], $0x1, s11, s20, $0xb8;
	[tilespmem:$0x90C0] =	vst v63  }
0x270: {  	p4 =	seq.s32 @!p6 s0, $0x0;
	s10 =	sadd.s32 @!p6 $0x6040, s9;
	s11 =	sadd.s32 @!p6 $0xC40, s9  }
0x271: {  	[tilespmem:s10], [sflag:$0x1] =	stream.indirect.gather @!p6 [spmem:s7], $0x1, s11, s20, $0xb8;
	[tilespmem:$0x90C0] =	vst v63  }
0x272: {  	p4 =	por p6, !p4;
	s10 =	sadd.s32 @!p6 $0x60C0, s9;
	s9 =	sadd.s32 @!p6 $0xCC0, s9  }
0x273: {  	[tilespmem:s10], [sflag:$0x1] =	stream.indirect.gather @!p6 [spmem:s7], $0x1, s9, s20, $0xb8;
	[tilespmem:$0x90C0] =	vst v63  }
0x274: {  	_ =	swait.ge @p4 [sflag:s28], $0x80  }
0x275: {  	[sflag:s28] =	ssyncset.done @p4 $0x0  }
0x276: {  	[sflag:s28] =	ssyncadd.s32 @p4 $0xFFFFFF80  }
0x277: {  	_ =	swait.ge @p4 [sflag:s28], $0x80  }
0x278: {  	[sflag:s28] =	ssyncset.done @p4 $0x0  }
0x279: {  	[sflag:s28] =	ssyncadd.s32 @p4 $0xFFFFFF80  }
0x27a: {  	_ =	swait.ge @p4 [sflag:s28], $0x80  }
0x27b: {  	[sflag:s28] =	ssyncset.done @p4 $0x0  }
0x27c: {  	[sflag:s28] =	ssyncadd.s32 @p4 $0xFFFFFF80  }
0x27d: {  	_ =	swait.ge @p4 [sflag:s28], $0x80  }
0x27e: {  	[sflag:s28] =	ssyncset.done @p4 $0x0  }
0x27f: {  	[sflag:s28] =	ssyncadd.s32 @p4 $0xFFFFFF80  }
0x280: {  	_ =	swait.ge @p4 [sflag:s28], $0x80  }
0x281: {  	[sflag:s28] =	ssyncset.done @p4 $0x0  }
0x282: {  	[sflag:s28] =	ssyncadd.s32 @p4 $0xFFFFFF80  }
0x283: {  	_ =	swait.ge @p4 [sflag:s28], $0x80  }
0x284: {  	[sflag:s28] =	ssyncset.done @p4 $0x0  }
0x285: {  	[sflag:s28] =	ssyncadd.s32 @p4 $0xFFFFFF80  }
0x286: {  	_ =	swait.ge @p4 [sflag:s28], $0x80  }
0x287: {  	[sflag:s28] =	ssyncset.done @p4 $0x0  }
0x288: {  	[sflag:s28] =	ssyncadd.s32 @p4 $0xFFFFFF80  }
0x289: {  	_ =	swait.ge @p4 [sflag:s28], $0x80  }
0x28a: {  	s9 =	sshra.s32 s0, $0x2;
	[sflag:s28] =	ssyncset.done @p4 $0x0  }
0x28b: {  	s11 =	sadd.s32 $0x5940, s9;
	s20 =	sadd.s32 $0x2D40, s9;
	[sflag:s28] =	ssyncadd.s32 @p4 $0xFFFFFF80  }
0x28c: {  	[spmem:s1] =	stream.indirect.scatter.add.f32 [tilespmem:s11], [sflag:$0x2], $0x1, s20, s24, $0xb8;
	[tilespmem:$0x90C0] =	vst v63  }
0x28d: {  	s11 =	sadd.s32 $0x59C0, s9;
	s20 =	sadd.s32 $0x2DC0, s9  }
0x28e: {  	[spmem:s1] =	stream.indirect.scatter.add.f32 [tilespmem:s11], [sflag:$0x2], $0x1, s20, s24, $0xb8;
	[tilespmem:$0x90C0] =	vst v63  }
0x28f: {  	s11 =	sadd.s32 $0x5A40, s9;
	s20 =	sadd.s32 $0x2E40, s9  }
0x290: {  	[spmem:s1] =	stream.indirect.scatter.add.f32 [tilespmem:s11], [sflag:$0x2], $0x1, s20, s24, $0xb8;
	[tilespmem:$0x90C0] =	vst v63  }
0x291: {  	s11 =	sadd.s32 $0x5AC0, s9;
	s20 =	sadd.s32 $0x2EC0, s9  }
0x292: {  	[spmem:s1] =	stream.indirect.scatter.add.f32 [tilespmem:s11], [sflag:$0x2], $0x1, s20, s24, $0xb8;
	[tilespmem:$0x90C0] =	vst v63  }
0x293: {  	s0 =	sadd.s32 $0x1000, s0;
	s11 =	sadd.s32 $0x5B40, s9;
	s20 =	sadd.s32 $0x2F40, s9  }
0x294: {  	[spmem:s1] =	stream.indirect.scatter.add.f32 [tilespmem:s11], [sflag:$0x2], $0x1, s20, s24, $0xb8;
	[tilespmem:$0x90C0] =	vst v63  }
0x295: {  	p4 =	seq.s32 s0, $0xA000;
	s11 =	sadd.s32 $0x5BC0, s9;
	s20 =	sadd.s32 $0x2FC0, s9  }
0x296: {  	[spmem:s1] =	stream.indirect.scatter.add.f32 [tilespmem:s11], [sflag:$0x2], $0x1, s20, s24, $0xb8;
	[tilespmem:$0x90C0] =	vst v63  }
.Ltmp10:
0x297: {  	_ = 	snop;
	(pc) =	sbr.rel @!p4 .LBB2_17-.Ltmp10, $4  }
0x298: {  	s11 =	sadd.s32 $0x5C40, s9;
	s20 =	sadd.s32 $0x3040, s9  }
0x299: {  	[spmem:s1] =	stream.indirect.scatter.add.f32 [tilespmem:s11], [sflag:$0x2], $0x1, s20, s24, $0xb8;
	[tilespmem:$0x90C0] =	vst v63  }
0x29a: {  	s20 =	sadd.s32 $0x5CC0, s9;
	s9 =	sadd.s32 $0x30C0, s9  }
0x29b: {  	[spmem:s1] =	stream.indirect.scatter.add.f32 [tilespmem:s20], [sflag:$0x2], $0x1, s9, s24, $0xb8;
	[tilespmem:$0x90C0] =	vst v63  }
0x29c: {  	_ =	swait.ge [sflag:s28], $0x80  }
0x29d: {  	[sflag:s28] =	ssyncset.done $0x0  }
0x29e: {  	[sflag:s28] =	ssyncadd.s32 $0xFFFFFF80  }
0x29f: {  	_ =	swait.ge [sflag:s28], $0x80  }
0x2a0: {  	[sflag:s28] =	ssyncset.done $0x0  }
0x2a1: {  	[sflag:s28] =	ssyncadd.s32 $0xFFFFFF80  }
0x2a2: {  	_ =	swait.ge [sflag:s28], $0x80  }
0x2a3: {  	[sflag:s28] =	ssyncset.done $0x0  }
0x2a4: {  	[sflag:s28] =	ssyncadd.s32 $0xFFFFFF80  }
0x2a5: {  	_ =	swait.ge [sflag:s28], $0x80  }
0x2a6: {  	[sflag:s28] =	ssyncset.done $0x0  }
0x2a7: {  	[sflag:s28] =	ssyncadd.s32 $0xFFFFFF80  }
0x2a8: {  	_ =	swait.ge [sflag:s28], $0x80  }
0x2a9: {  	[sflag:s28] =	ssyncset.done $0x0  }
0x2aa: {  	[sflag:s28] =	ssyncadd.s32 $0xFFFFFF80  }
0x2ab: {  	_ =	swait.ge [sflag:s28], $0x80  }
0x2ac: {  	[sflag:s28] =	ssyncset.done $0x0  }
0x2ad: {  	[sflag:s28] =	ssyncadd.s32 $0xFFFFFF80  }
0x2ae: {  	_ =	swait.ge [sflag:s28], $0x80  }
0x2af: {  	[sflag:s28] =	ssyncset.done $0x0  }
0x2b0: {  	[sflag:s28] =	ssyncadd.s32 $0xFFFFFF80  }
0x2b1: {  	_ =	swait.ge [sflag:s28], $0x80  }
0x2b2: {  	[sflag:s28] =	ssyncset.done $0x0  }
0x2b3: {  	[sflag:s28] =	ssyncadd.s32 $0xFFFFFF80  }
0x2b4: {  	[bflag:$0x0] =	sbarrier.arrive $0xFFFF  }
0x2b5: {  	[tilespmem:s30], [sflag:$0x3] =	stream.linear.gather [spmem:s13], $0x280, $0x38;
	[tilespmem:$0x90C0] =	vst v63  }
0x2b6: {  	_ =	swait.ge [sflag:s21], $0x280  }
0x2b7: {  	[sflag:s21] =	ssyncset.done $0x0  }
0x2b8: {  	s0 =	simm.s32 $0x0;
	[sflag:s21] =	ssyncadd.s32 $0xFFFFFD80  }
0x2b9: {  	v1 =	vld [tilespmem:s0+$0x86C0]  }
0x2ba: {  	s9 =	simm.s32 $0x40;
	v2 =	vld [tilespmem:s0+$0x8440]  }
.LBB2_19:
0x2bb: {  	_ = 	snop  }
0x2bc: {  	p4 =	sne.s32 s9, $0x9C0  }
.Ltmp11:
0x2bd: {  	_ = 	snop;
	(pc) =	sbr.rel @p4 .LBB2_19-.Ltmp11, $4  }
0x2be: {  	_ = 	snop  }
0x2bf: {  	s10 =	sshra.s32 s9, $0x2;
	v3 =	vmul.f32 v2, v1  }
0x2c0: {  	v1 =	vld [tilespmem:s10+$0x86C0]  }
0x2c1: {  	s9 =	sadd.s32 $0x40, s9;
	v2 =	vld [tilespmem:s10+$0x8440];
	[tilespmem:s0+$0x8E40] =	vst v3;
	s0 =	smov.u32 s10  }
0x2c2: {  	_ =	sdelay $0x3  }
0x2c3: {  	v1 =	vmul.f32 v2, v1;
	_ =	sdelay $0x1  }
0x2c4: {  	s9 =	simm.s32 $0x8E40;
	[tilespmem:s0+$0x8E40] =	vst v1  }
0x2c5: {  	[spmem:s3] =	stream.indirect.scatter.add.f32 [tilespmem:s9], [sflag:$0x3], $0x1, s22, s24, $0xb8;
	[tilespmem:$0x90C0] =	vst v63  }
0x2c6: {  	_ =	swait.ge [sflag:s21], $0x80  }
0x2c7: {  	[sflag:s21] =	ssyncset.done $0x0  }
0x2c8: {  	s10 =	simm.s32 $0x55C0;
	s9 =	simm.s32 $0x8EC0;
	[sflag:s21] =	ssyncadd.s32 $0xFFFFFF80  }
0x2c9: {  	[spmem:s3] =	stream.indirect.scatter.add.f32 [tilespmem:s9], [sflag:$0x3], $0x1, s10, s24, $0xb8;
	[tilespmem:$0x90C0] =	vst v63  }
0x2ca: {  	_ =	swait.ge [sflag:s21], $0x80  }
0x2cb: {  	[sflag:s21] =	ssyncset.done $0x0  }
0x2cc: {  	s11 =	simm.s32 $0x5640;
	s20 =	simm.s32 $0x8F40;
	[sflag:s21] =	ssyncadd.s32 $0xFFFFFF80  }
0x2cd: {  	[spmem:s3] =	stream.indirect.scatter.add.f32 [tilespmem:s20], [sflag:$0x3], $0x1, s11, s24, $0xb8;
	[tilespmem:$0x90C0] =	vst v63  }
0x2ce: {  	_ =	swait.ge [sflag:s21], $0x80  }
0x2cf: {  	[sflag:s21] =	ssyncset.done $0x0  }
0x2d0: {  	s9 =	simm.s32 $0x56C0;
	s10 =	simm.s32 $0x8FC0;
	[sflag:s21] =	ssyncadd.s32 $0xFFFFFF80  }
0x2d1: {  	[spmem:s3] =	stream.indirect.scatter.add.f32 [tilespmem:s10], [sflag:$0x3], $0x1, s9, s24, $0xb8;
	[tilespmem:$0x90C0] =	vst v63  }
0x2d2: {  	_ =	swait.ge [sflag:s21], $0x80  }
0x2d3: {  	[sflag:s21] =	ssyncset.done $0x0  }
0x2d4: {  	s11 =	simm.s32 $0x5740;
	s20 =	simm.s32 $0x9040;
	[sflag:s21] =	ssyncadd.s32 $0xFFFFFF80  }
0x2d5: {  	[spmem:s3] =	stream.indirect.scatter.add.f32 [tilespmem:s20], [sflag:$0x3], $0x1, s11, s24, $0xb8;
	[tilespmem:$0x90C0] =	vst v63  }
0x2d6: {  	_ =	swait.ge [sflag:s21], $0x80  }
0x2d7: {  	[sflag:s21] =	ssyncset.done $0x0  }
0x2d8: {  	[sflag:s21] =	ssyncadd.s32 $0xFFFFFF80  }
.LBB2_21:
.Ltmp12:
0x2d9: {  	(pc) =	sbr.rel @!p0 .LBB2_23-.Ltmp12, $1  }
0x2da: {  	_ =	sdelay $0x3  }
0x2db: {  	s0 =	simm.s32 $0x8E40  }
0x2dc: {  	[spmem:s4] =	stream.indirect.scatter.add.f32 [tilespmem:s0], [sflag:$0x3], $0x1, s22, s24, $0xb8;
	[tilespmem:$0x90C0] =	vst v63  }
0x2dd: {  	_ =	swait.ge [sflag:s21], $0x80  }
0x2de: {  	[sflag:s21] =	ssyncset.done $0x0  }
0x2df: {  	s9 =	simm.s32 $0x8EC0;
	s0 =	simm.s32 $0x55C0;
	[sflag:s21] =	ssyncadd.s32 $0xFFFFFF80  }
0x2e0: {  	[spmem:s4] =	stream.indirect.scatter.add.f32 [tilespmem:s9], [sflag:$0x3], $0x1, s0, s24, $0xb8;
	[tilespmem:$0x90C0] =	vst v63  }
0x2e1: {  	_ =	swait.ge [sflag:s21], $0x80  }
0x2e2: {  	[sflag:s21] =	ssyncset.done $0x0  }
0x2e3: {  	s10 =	simm.s32 $0x8F40;
	s9 =	simm.s32 $0x5640;
	[sflag:s21] =	ssyncadd.s32 $0xFFFFFF80  }
0x2e4: {  	[spmem:s4] =	stream.indirect.scatter.add.f32 [tilespmem:s10], [sflag:$0x3], $0x1, s9, s24, $0xb8;
	[tilespmem:$0x90C0] =	vst v63  }
0x2e5: {  	_ =	swait.ge [sflag:s21], $0x80  }
0x2e6: {  	[sflag:s21] =	ssyncset.done $0x0  }
0x2e7: {  	s11 =	simm.s32 $0x8FC0;
	s10 =	simm.s32 $0x56C0;
	[sflag:s21] =	ssyncadd.s32 $0xFFFFFF80  }
0x2e8: {  	[spmem:s4] =	stream.indirect.scatter.add.f32 [tilespmem:s11], [sflag:$0x3], $0x1, s10, s24, $0xb8;
	[tilespmem:$0x90C0] =	vst v63  }
0x2e9: {  	_ =	swait.ge [sflag:s21], $0x80  }
0x2ea: {  	[sflag:s21] =	ssyncset.done $0x0  }
0x2eb: {  	s20 =	simm.s32 $0x9040;
	s11 =	simm.s32 $0x5740;
	[sflag:s21] =	ssyncadd.s32 $0xFFFFFF80  }
0x2ec: {  	[spmem:s4] =	stream.indirect.scatter.add.f32 [tilespmem:s20], [sflag:$0x3], $0x1, s11, s24, $0xb8;
	[tilespmem:$0x90C0] =	vst v63  }
0x2ed: {  	_ =	swait.ge [sflag:s21], $0x80  }
0x2ee: {  	[sflag:s21] =	ssyncset.done $0x0  }
0x2ef: {  	s20 =	simm.s32 $0x8BC0;
	[sflag:s21] =	ssyncadd.s32 $0xFFFFFF80  }
0x2f0: {  	[spmem:s5] =	stream.indirect.scatter.add.f32 [tilespmem:s20], [sflag:$0x3], $0x1, s22, s24, $0xb8;
	[tilespmem:$0x90C0] =	vst v63  }
0x2f1: {  	_ =	swait.ge [sflag:s21], $0x80  }
0x2f2: {  	[sflag:s21] =	ssyncset.done $0x0  }
0x2f3: {  	s20 =	simm.s32 $0x8C40;
	[sflag:s21] =	ssyncadd.s32 $0xFFFFFF80  }
0x2f4: {  	[spmem:s5] =	stream.indirect.scatter.add.f32 [tilespmem:s20], [sflag:$0x3], $0x1, s0, s24, $0xb8;
	[tilespmem:$0x90C0] =	vst v63  }
0x2f5: {  	_ =	swait.ge [sflag:s21], $0x80  }
0x2f6: {  	[sflag:s21] =	ssyncset.done $0x0  }
0x2f7: {  	s20 =	simm.s32 $0x8CC0;
	[sflag:s21] =	ssyncadd.s32 $0xFFFFFF80  }
0x2f8: {  	[spmem:s5] =	stream.indirect.scatter.add.f32 [tilespmem:s20], [sflag:$0x3], $0x1, s9, s24, $0xb8;
	[tilespmem:$0x90C0] =	vst v63  }
0x2f9: {  	_ =	swait.ge [sflag:s21], $0x80  }
0x2fa: {  	[sflag:s21] =	ssyncset.done $0x0  }
0x2fb: {  	s20 =	simm.s32 $0x8D40;
	[sflag:s21] =	ssyncadd.s32 $0xFFFFFF80  }
0x2fc: {  	[spmem:s5] =	stream.indirect.scatter.add.f32 [tilespmem:s20], [sflag:$0x3], $0x1, s10, s24, $0xb8;
	[tilespmem:$0x90C0] =	vst v63  }
0x2fd: {  	_ =	swait.ge [sflag:s21], $0x80  }
0x2fe: {  	[sflag:s21] =	ssyncset.done $0x0  }
0x2ff: {  	s20 =	simm.s32 $0x8DC0;
	[sflag:s21] =	ssyncadd.s32 $0xFFFFFF80  }
0x300: {  	[spmem:s5] =	stream.indirect.scatter.add.f32 [tilespmem:s20], [sflag:$0x3], $0x1, s11, s24, $0xb8;
	[tilespmem:$0x90C0] =	vst v63  }
0x301: {  	_ =	swait.ge [sflag:s21], $0x80  }
0x302: {  	[sflag:s21] =	ssyncset.done $0x0  }
0x303: {  	[sflag:s21] =	ssyncadd.s32 $0xFFFFFF80  }
0x304: {  	[spmem:s6] =	stream.indirect.scatter.add.f32 [tilespmem:s25], [sflag:$0x3], $0x1, s22, s24, $0xb8;
	[tilespmem:$0x90C0] =	vst v63  }
0x305: {  	_ =	swait.ge [sflag:s21], $0x80  }
0x306: {  	[sflag:s21] =	ssyncset.done $0x0  }
0x307: {  	[sflag:s21] =	ssyncadd.s32 $0xFFFFFF80  }
0x308: {  	[spmem:s6] =	stream.indirect.scatter.add.f32 [tilespmem:s25], [sflag:$0x3], $0x1, s0, s24, $0xb8;
	[tilespmem:$0x90C0] =	vst v63  }
0x309: {  	_ =	swait.ge [sflag:s21], $0x80  }
0x30a: {  	[sflag:s21] =	ssyncset.done $0x0  }
0x30b: {  	[sflag:s21] =	ssyncadd.s32 $0xFFFFFF80  }
0x30c: {  	[spmem:s6] =	stream.indirect.scatter.add.f32 [tilespmem:s25], [sflag:$0x3], $0x1, s9, s24, $0xb8;
	[tilespmem:$0x90C0] =	vst v63  }
0x30d: {  	_ =	swait.ge [sflag:s21], $0x80  }
0x30e: {  	[sflag:s21] =	ssyncset.done $0x0  }
0x30f: {  	[sflag:s21] =	ssyncadd.s32 $0xFFFFFF80  }
0x310: {  	[spmem:s6] =	stream.indirect.scatter.add.f32 [tilespmem:s25], [sflag:$0x3], $0x1, s10, s24, $0xb8;
	[tilespmem:$0x90C0] =	vst v63  }
0x311: {  	_ =	swait.ge [sflag:s21], $0x80  }
0x312: {  	[sflag:s21] =	ssyncset.done $0x0  }
.Ltmp13:
0x313: {  	[sflag:s21] =	ssyncadd.s32 $0xFFFFFF80;
	(pc) =	sbr.rel .LBB2_23-.Ltmp13, $4  }
0x314: {  	[spmem:s6] =	stream.indirect.scatter.add.f32 [tilespmem:s25], [sflag:$0x3], $0x1, s11, s24, $0xb8;
	[tilespmem:$0x90C0] =	vst v63  }
0x315: {  	_ =	swait.ge [sflag:s21], $0x80  }
0x316: {  	[sflag:s21] =	ssyncset.done $0x0  }
0x317: {  	[sflag:s21] =	ssyncadd.s32 $0xFFFFFF80  }
.LBB2_24:
0x318: {  	_ =	sfence.sel $0x180000  }
0x319: {  	[bflag:$0x0] =	sbarrier.arrive $0xFFFF  }
0x31a: {  	_ =	strace $0x90000047  }
0x31b: {  	[bflag:$0x2] =	sbarrier.arrive $0xFFFF  }
0x31c: {  	s0 =	rddreg [dreg:$0x8]  }
0x31d: {  	s0 =	sadd.s32 @!p1 $0x100000, s0  }
0x31e: {  	[sflag:s0] =	ssyncadd.tile.s32 @!p1 $0x1;
	_ =	shalt  }
.Lfunc_end2:
_tile_overlayer_lowered:
.L_overlay_start_2:
0x31f: {  	(tag) =	ssettag $0x2  }
0x320: {  	s0 =	rddreg [dreg:$0x0];
	s2 =	stileid.u32  }
0x321: {  	s1 =	rddreg [dreg:$0x1];
	p0 =	sne.s32 s2, $0x0  }
0x322: {  	s3 =	rddreg [dreg:$0x2];
	[bflag:$0x3] =	sbarrier.arrive $0xFFFF;
	s2 =	simm.s32 @!p0 $0x1C03  }
0x323: {  	[timem:s3], [sflag:s2] =	dma.local @!p0 [hbm:s0], s1  }
0x324: {  	s0 =	simm.s32 @!p0 $0x3  }
0x325: {  	_ =	swait.ge @!p0 [sflag:s0], s1  }
0x326: {  	s1 =	ssub.s32 @!p0 $0x0, s1;
	[sflag:s0] =	ssyncset.done @!p0 $0x0  }
0x327: {  	[sflag:s0] =	ssyncadd.s32 @!p0 s1  }
0x328: {  	[bflag:$0x3] =	sbarrier.arrive $0xFFFF  }
0x329: {  	_ =	shalt  }

</sc_bundles>
